<compile_context>
chip_gen: v7x
topology: tpu7x:2x2x1
jax: 0.10.2.dev20260603
libtpu: 0.0.44.dev20260713+nightly
codegen_flags: <defaults>
</compile_context>

<pallas_src>
import functools

import jax
import jax.numpy as jnp
import numpy as np
from jax import lax
from jax.experimental import pallas as pl
from jax.experimental.pallas import tpu as pltpu
from jax.experimental.pallas import tpu_sc as plsc

_MAPPING = np.array([0, 1, 1, 1, 1, 2, 2, 2, 2, 3, 3, 3, 3, 3, 4, 4, 4, 4, 5, 6, 7, 7, 7],
                    dtype=np.int32)
_DISTANCES = np.array([0, 0, 1, 2, 3, 0, 1, 2, 3, 0, 1, 2, 3, 4, 0, 1, 2, 3, 0, 0, 0, 1, 2],
                      dtype=np.float32)
_NCODE = 23
_NMAJOR = 8
_EMBED = 32
_TROWS = 32

_OH = np.zeros((_TROWS, _NMAJOR), np.float32)
_OH[np.arange(_NCODE), _MAPPING] = 1.0
_SOH = _OH * np.pad(_DISTANCES, (0, _TROWS - _NCODE))[:, None]

_B = 16 * 1 * 224 * 224
_NW = 32
_BPW = _B // _NW
_CH = 1568
_NCHUNK = _BPW // _CH


def _table_body(vec_ref, bias_ref, oh_ref, soh_ref, tab_ref):
    tab_ref[:, :] = (
        jnp.dot(oh_ref[:, :], bias_ref[:, :], preferred_element_type=jnp.float32,
                precision=jax.lax.Precision.HIGHEST)
        + jnp.dot(soh_ref[:, :], vec_ref[:, :], preferred_element_type=jnp.float32,
                  precision=jax.lax.Precision.HIGHEST)
    )


def _build_table(vectors, bias):
    return pl.pallas_call(
        _table_body,
        out_shape=jax.ShapeDtypeStruct((_TROWS, _EMBED), jnp.float32),
    )(vectors, bias, jnp.asarray(_OH), jnp.asarray(_SOH))


_mesh = plsc.VectorSubcoreMesh(core_axis_name="c", subcore_axis_name="s")


@functools.partial(
    pl.kernel,
    mesh=_mesh,
    out_type=jax.ShapeDtypeStruct((_B, _EMBED), jnp.float32),
    scratch_types=[
        pltpu.VMEM((_BPW,), jnp.int32),
        pltpu.VMEM((2, _CH, _EMBED), jnp.float32),
        pltpu.VMEM_SHARED((_TROWS, _EMBED), jnp.float32),
        pltpu.SemaphoreType.DMA,
        pltpu.SemaphoreType.DMA,
        pltpu.SemaphoreType.DMA,
    ],
    compiler_params=pltpu.CompilerParams(use_tc_tiling_on_sc=False),
)
def _gather_kernel(idx_hbm, tab_hbm, out_hbm, idx_v, rows_v, tab_sh, gsem, ssem0, ssem1):
    cid = lax.axis_index("c")
    sid = lax.axis_index("s")
    wid = sid * 2 + cid
    base = wid * _BPW

    @pl.when(sid == 0)
    def _():
        pltpu.sync_copy(tab_hbm, tab_sh)

    plsc.subcore_barrier()

    pltpu.sync_copy(idx_hbm.at[pl.ds(base, _BPW)], idx_v)

    ssems = (ssem0, ssem1)
    handles = [None, None]
    for j in range(_NCHUNK):
        b = j % 2
        if handles[b] is not None:
            handles[b].wait()
        pltpu.async_copy(
            tab_sh.at[idx_v.at[pl.ds(j * _CH, _CH)]], rows_v.at[b], gsem
        ).wait()
        handles[b] = pltpu.async_copy(
            rows_v.at[b], out_hbm.at[pl.ds(base + j * _CH, _CH)], ssems[b]
        )
    handles[0].wait()
    handles[1].wait()


def kernel(input, vectors, bias):
    table = _build_table(vectors, bias)
    idx = input.reshape(_B)
    out = _gather_kernel(idx, table)
    return out.reshape(input.shape + (_EMBED,))

# --- scband reference (transcript-rebuilt; emitter-appended) ---
"""Pipeline reference for scband-land-cover-embedding-87084756894097 (READ-ONLY COPY).

The authoritative reference and input builder live on the scoring server;
editing this copy changes nothing except your own understanding.
"""

import jax, jax.numpy as jnp
import numpy as np

# LCNS level-0 mapping: 23 fine land-cover codes -> 8 major categories.
# Group boundaries are inferred from the distances table (distance resets to 0 at each new major group).
MAPPING = jnp.array([0,1,1,1,1,2,2,2,2,3,3,3,3,3,4,4,4,4,5,6,7,7,7], dtype=jnp.int32)
DISTANCES = jnp.array([0,0,1,2,3,0,1,2,3,0,1,2,3,4,0,1,2,3,0,0,0,1,2], dtype=jnp.float32)
N_MAJOR = 8
EMBED = 32


def setup_inputs(seed: int = 0) -> dict:
    key = jax.random.key(seed)
    k1, k2, k3 = jax.random.split(key, 3)
    inp = jax.random.randint(k1, (16, 1, 224, 224), 0, 23, dtype=jnp.int32)
    # self.weight / self.vectors in the torch module: [n_major_classes, embedding_size], normal init
    vectors = jax.random.normal(k2, (N_MAJOR, EMBED), dtype=jnp.float32)
    # self.bias: [n_major_classes, embedding_size]; torch inits to 0 but use small randn for a non-degenerate reference
    bias = 0.1 * jax.random.normal(k3, (N_MAJOR, EMBED), dtype=jnp.float32)
    return {"input": inp, "vectors": vectors, "bias": bias}


def reference(input, vectors, bias):
    # LandCoverMapper: per-pixel lookup of major category (equivalent to the expand+gather in torch)
    level0 = jnp.take(MAPPING, input, axis=0)                      # [B,T,H,W] int
    # F.embedding lookups into the two small tables
    level0_bias = jnp.take(bias, level0, axis=0)                   # [B,T,H,W,E]
    level0_vector = jnp.take(vectors, level0, axis=0)              # [B,T,H,W,E]
    # distance gather on flattened input (torch.gather(self.distances, 0, input.flatten()))
    distance = jnp.take(DISTANCES, input.reshape(-1), axis=0)
    distance = distance.reshape(input.shape + (1,))                # broadcast over embedding dim
    return level0_bias + distance * level0_vector

if __name__ == "__main__":
    import jax
    _d = setup_inputs()
    print(jax.jit(kernel)(*tuple(_d.values())))

</pallas_src>

<mosaic_0001>
#map = affine_map<(d0, d1) -> (0)>
#map1 = affine_map<(d0, d1) -> (0, 0)>
module attributes {stable_mosaic.version = 14 : i64} {
  func.func @_gather_kernel(%arg0: i32, %arg1: i32, %arg2: memref<802816xi32, #tpu.memory_space<hbm>>, %arg3: memref<32x32xf32, #tpu.memory_space<hbm>>, %arg4: memref<802816x32xf32, #tpu.memory_space<hbm>>, %arg5: memref<25088xi32, #tpu.memory_space<vmem>>, %arg6: memref<2x1568x32xf32, #tpu.memory_space<vmem>>, %arg7: memref<32x32xf32, #tpu.memory_space<vmem_shared>>, %arg8: memref<!tpu.dma_semaphore, #tpu.memory_space<semaphore_mem>>, %arg9: memref<!tpu.dma_semaphore, #tpu.memory_space<semaphore_mem>>, %arg10: memref<!tpu.dma_semaphore, #tpu.memory_space<semaphore_mem>>) attributes {dimension_semantics = [#tpu.dimension_semantics<core_parallel>, #tpu.dimension_semantics<subcore_parallel>], iteration_bounds = array<i64: 2, 16>, scalar_prefetch = 0 : i64, scratch_operands = 6 : i64, tpu.core_type = #tpu.core_type<sc_vector_subcore>, window_params = [{transform_indices = #map}, {transform_indices = #map1}, {transform_indices = #map1}]} {
    %mul3A = arith.constant 2 : i32
    %mul3A_0 = arith.muli %arg1, %mul3A : i32
    %add3A = arith.addi %mul3A_0, %arg0 : i32
    %mul3A_1 = arith.constant 25088 : i32
    %mul3A_2 = arith.muli %add3A, %mul3A_1 : i32
    %eq3A = arith.constant 0 : i32
    %eq3A_3 = arith.cmpi eq, %arg1, %eq3A : i32
    %convert_element_type3A = arith.extui %eq3A_3 : i1 to i32
    %cond3A = arith.constant 0 : i32
    %cond3A_4 = arith.cmpi ne, %convert_element_type3A, %cond3A : i32
    scf.if %cond3A_4 {
      "tpu.region"() ({
        %run_scoped3A = tpu.sem_alloc : memref<!tpu.dma_semaphore, #tpu.memory_space<semaphore_mem>>
        tpu.enqueue_dma source(%arg3 : memref<32x32xf32, #tpu.memory_space<hbm>>) target(%arg7 : memref<32x32xf32, #tpu.memory_space<vmem_shared>>) target_semaphore(%run_scoped3A : memref<!tpu.dma_semaphore, #tpu.memory_space<semaphore_mem>>)
        tpu.wait_dma2 semaphore(%run_scoped3A : memref<!tpu.dma_semaphore, #tpu.memory_space<semaphore_mem>>) src(%arg3 : memref<32x32xf32, #tpu.memory_space<hbm>>) dst(%arg7 : memref<32x32xf32, #tpu.memory_space<vmem_shared>>)
        tpu.yield
      }) : () -> ()
    } else {
    }
    %barrier3A = arith.constant 0 : index
    tpu.barrier barrier_id(%barrier3A)
    "tpu.region"() ({
      %run_scoped3A = tpu.sem_alloc : memref<!tpu.dma_semaphore, #tpu.memory_space<semaphore_mem>>
      %dma_start3A_771 = tpu.memref_slice %arg2[%mul3A_2] : memref<802816xi32, #tpu.memory_space<hbm>> -> memref<25088xi32, #tpu.memory_space<hbm>>
      %dma_start3A_772 = tpu.memref_slice %arg2[%mul3A_2] : memref<802816xi32, #tpu.memory_space<hbm>> -> memref<25088xi32, #tpu.memory_space<hbm>>
      tpu.enqueue_dma source(%dma_start3A_772 : memref<25088xi32, #tpu.memory_space<hbm>>) target(%arg5 : memref<25088xi32, #tpu.memory_space<vmem>>) target_semaphore(%run_scoped3A : memref<!tpu.dma_semaphore, #tpu.memory_space<semaphore_mem>>)
      %dma_wait3A_773 = tpu.memref_slice %arg2[%mul3A_2] : memref<802816xi32, #tpu.memory_space<hbm>> -> memref<25088xi32, #tpu.memory_space<hbm>>
      %dma_wait3A_774 = tpu.memref_slice %arg2[%mul3A_2] : memref<802816xi32, #tpu.memory_space<hbm>> -> memref<25088xi32, #tpu.memory_space<hbm>>
      tpu.wait_dma2 semaphore(%run_scoped3A : memref<!tpu.dma_semaphore, #tpu.memory_space<semaphore_mem>>) src(%dma_wait3A_774 : memref<25088xi32, #tpu.memory_space<hbm>>) dst(%arg5 : memref<25088xi32, #tpu.memory_space<vmem>>)
      tpu.yield
    }) : () -> ()
    %dma_start3A = arith.constant 0 : i32
    %dma_start3A_5 = arith.constant 0 : i32
    %dma_start3A_6 = arith.constant 0 : i32
    %dma_start3A_7 = tpu.memref_slice %arg6[%dma_start3A, %dma_start3A_5, %dma_start3A_6] : memref<2x1568x32xf32, #tpu.memory_space<vmem>> -> memref<1x1568x32xf32, #tpu.memory_space<vmem>>
    %dma_start3A_8 = tpu.memref_squeeze %dma_start3A_7 : memref<1x1568x32xf32, #tpu.memory_space<vmem>> -> memref<1568x32xf32, #tpu.memory_space<vmem>>
    %dma_start3A_9 = arith.constant 0 : i32
    %dma_start3A_10 = tpu.memref_slice %arg5[%dma_start3A_9] : memref<25088xi32, #tpu.memory_space<vmem>> -> memref<1568xi32, #tpu.memory_space<vmem>>
    %dma_start3A_11 = arith.constant 0 : i32
    %dma_start3A_12 = arith.constant 0 : i32
    %dma_start3A_13 = tpu.memref_slice %arg7[%dma_start3A_11, %dma_start3A_12] : memref<32x32xf32, #tpu.memory_space<vmem_shared>> -> memref<32x32xf32, #tpu.memory_space<vmem_shared>>
    tpu.enqueue_indirect_dma source(%dma_start3A_13 : memref<32x32xf32, #tpu.memory_space<vmem_shared>>) target(%dma_start3A_8 : memref<1568x32xf32, #tpu.memory_space<vmem>>) offsets(%dma_start3A_10 : memref<1568xi32, #tpu.memory_space<vmem>>) semaphore(%arg8 : memref<!tpu.dma_semaphore, #tpu.memory_space<semaphore_mem>>)
    %dma_wait3A = arith.constant 0 : i32
    %dma_wait3A_14 = arith.constant 0 : i32
    %dma_wait3A_15 = arith.constant 0 : i32
    %dma_wait3A_16 = tpu.memref_slice %arg6[%dma_wait3A, %dma_wait3A_14, %dma_wait3A_15] : memref<2x1568x32xf32, #tpu.memory_space<vmem>> -> memref<1x1568x32xf32, #tpu.memory_space<vmem>>
    %dma_wait3A_17 = tpu.memref_squeeze %dma_wait3A_16 : memref<1x1568x32xf32, #tpu.memory_space<vmem>> -> memref<1568x32xf32, #tpu.memory_space<vmem>>
    %dma_wait3A_18 = arith.constant 0 : i32
    %dma_wait3A_19 = tpu.memref_slice %arg5[%dma_wait3A_18] : memref<25088xi32, #tpu.memory_space<vmem>> -> memref<1568xi32, #tpu.memory_space<vmem>>
    %dma_wait3A_20 = arith.constant 0 : i32
    %dma_wait3A_21 = arith.constant 0 : i32
    %dma_wait3A_22 = tpu.memref_slice %arg7[%dma_wait3A_20, %dma_wait3A_21] : memref<32x32xf32, #tpu.memory_space<vmem_shared>> -> memref<32x32xf32, #tpu.memory_space<vmem_shared>>
    tpu.wait_indirect_dma semaphore(%arg8 : memref<!tpu.dma_semaphore, #tpu.memory_space<semaphore_mem>>) src(%dma_wait3A_22 : memref<32x32xf32, #tpu.memory_space<vmem_shared>>) dst(%dma_wait3A_17 : memref<1568x32xf32, #tpu.memory_space<vmem>>)
    %add3A_23 = arith.constant 0 : i32
    %add3A_24 = arith.addi %mul3A_2, %add3A_23 : i32
    %dma_start3A_25 = arith.constant 0 : i32
    %dma_start3A_26 = arith.constant 0 : i32
    %dma_start3A_27 = arith.constant 0 : i32
    %dma_start3A_28 = tpu.memref_slice %arg6[%dma_start3A_25, %dma_start3A_26, %dma_start3A_27] : memref<2x1568x32xf32, #tpu.memory_space<vmem>> -> memref<1x1568x32xf32, #tpu.memory_space<vmem>>
    %dma_start3A_29 = tpu.memref_squeeze %dma_start3A_28 : memref<1x1568x32xf32, #tpu.memory_space<vmem>> -> memref<1568x32xf32, #tpu.memory_space<vmem>>
    %dma_start3A_30 = arith.constant 0 : i32
    %dma_start3A_31 = tpu.memref_slice %arg4[%add3A_24, %dma_start3A_30] : memref<802816x32xf32, #tpu.memory_space<hbm>> -> memref<1568x32xf32, #tpu.memory_space<hbm>>
    %dma_start3A_32 = arith.constant 0 : i32
    %dma_start3A_33 = tpu.memref_slice %arg4[%add3A_24, %dma_start3A_32] : memref<802816x32xf32, #tpu.memory_space<hbm>> -> memref<1568x32xf32, #tpu.memory_space<hbm>>
    %dma_start3A_34 = arith.constant 0 : i32
    %dma_start3A_35 = arith.constant 0 : i32
    %dma_start3A_36 = tpu.memref_slice %arg6[%dma_start3A_25, %dma_start3A_34, %dma_start3A_35] : memref<2x1568x32xf32, #tpu.memory_space<vmem>> -> memref<1x1568x32xf32, #tpu.memory_space<vmem>>
    %dma_start3A_37 = tpu.memref_squeeze %dma_start3A_36 : memref<1x1568x32xf32, #tpu.memory_space<vmem>> -> memref<1568x32xf32, #tpu.memory_space<vmem>>
    tpu.enqueue_dma source(%dma_start3A_37 : memref<1568x32xf32, #tpu.memory_space<vmem>>) target(%dma_start3A_33 : memref<1568x32xf32, #tpu.memory_space<hbm>>) target_semaphore(%arg9 : memref<!tpu.dma_semaphore, #tpu.memory_space<semaphore_mem>>)
    %dma_start3A_38 = arith.constant 1 : i32
    %dma_start3A_39 = arith.constant 0 : i32
    %dma_start3A_40 = arith.constant 0 : i32
    %dma_start3A_41 = tpu.memref_slice %arg6[%dma_start3A_38, %dma_start3A_39, %dma_start3A_40] : memref<2x1568x32xf32, #tpu.memory_space<vmem>> -> memref<1x1568x32xf32, #tpu.memory_space<vmem>>
    %dma_start3A_42 = tpu.memref_squeeze %dma_start3A_41 : memref<1x1568x32xf32, #tpu.memory_space<vmem>> -> memref<1568x32xf32, #tpu.memory_space<vmem>>
    %dma_start3A_43 = arith.constant 1568 : i32
    %dma_start3A_44 = tpu.memref_slice %arg5[%dma_start3A_43] : memref<25088xi32, #tpu.memory_space<vmem>> -> memref<1568xi32, #tpu.memory_space<vmem>>
    %dma_start3A_45 = arith.constant 0 : i32
    %dma_start3A_46 = arith.constant 0 : i32
    %dma_start3A_47 = tpu.memref_slice %arg7[%dma_start3A_45, %dma_start3A_46] : memref<32x32xf32, #tpu.memory_space<vmem_shared>> -> memref<32x32xf32, #tpu.memory_space<vmem_shared>>
    tpu.enqueue_indirect_dma source(%dma_start3A_47 : memref<32x32xf32, #tpu.memory_space<vmem_shared>>) target(%dma_start3A_42 : memref<1568x32xf32, #tpu.memory_space<vmem>>) offsets(%dma_start3A_44 : memref<1568xi32, #tpu.memory_space<vmem>>) semaphore(%arg8 : memref<!tpu.dma_semaphore, #tpu.memory_space<semaphore_mem>>)
    %dma_wait3A_48 = arith.constant 1 : i32
    %dma_wait3A_49 = arith.constant 0 : i32
    %dma_wait3A_50 = arith.constant 0 : i32
    %dma_wait3A_51 = tpu.memref_slice %arg6[%dma_wait3A_48, %dma_wait3A_49, %dma_wait3A_50] : memref<2x1568x32xf32, #tpu.memory_space<vmem>> -> memref<1x1568x32xf32, #tpu.memory_space<vmem>>
    %dma_wait3A_52 = tpu.memref_squeeze %dma_wait3A_51 : memref<1x1568x32xf32, #tpu.memory_space<vmem>> -> memref<1568x32xf32, #tpu.memory_space<vmem>>
    %dma_wait3A_53 = arith.constant 1568 : i32
    %dma_wait3A_54 = tpu.memref_slice %arg5[%dma_wait3A_53] : memref<25088xi32, #tpu.memory_space<vmem>> -> memref<1568xi32, #tpu.memory_space<vmem>>
    %dma_wait3A_55 = arith.constant 0 : i32
    %dma_wait3A_56 = arith.constant 0 : i32
    %dma_wait3A_57 = tpu.memref_slice %arg7[%dma_wait3A_55, %dma_wait3A_56] : memref<32x32xf32, #tpu.memory_space<vmem_shared>> -> memref<32x32xf32, #tpu.memory_space<vmem_shared>>
    tpu.wait_indirect_dma semaphore(%arg8 : memref<!tpu.dma_semaphore, #tpu.memory_space<semaphore_mem>>) src(%dma_wait3A_57 : memref<32x32xf32, #tpu.memory_space<vmem_shared>>) dst(%dma_wait3A_52 : memref<1568x32xf32, #tpu.memory_space<vmem>>)
    %add3A_58 = arith.constant 1568 : i32
    %add3A_59 = arith.addi %mul3A_2, %add3A_58 : i32
    %dma_start3A_60 = arith.constant 1 : i32
    %dma_start3A_61 = arith.constant 0 : i32
    %dma_start3A_62 = arith.constant 0 : i32
    %dma_start3A_63 = tpu.memref_slice %arg6[%dma_start3A_60, %dma_start3A_61, %dma_start3A_62] : memref<2x1568x32xf32, #tpu.memory_space<vmem>> -> memref<1x1568x32xf32, #tpu.memory_space<vmem>>
    %dma_start3A_64 = tpu.memref_squeeze %dma_start3A_63 : memref<1x1568x32xf32, #tpu.memory_space<vmem>> -> memref<1568x32xf32, #tpu.memory_space<vmem>>
    %dma_start3A_65 = arith.constant 0 : i32
    %dma_start3A_66 = tpu.memref_slice %arg4[%add3A_59, %dma_start3A_65] : memref<802816x32xf32, #tpu.memory_space<hbm>> -> memref<1568x32xf32, #tpu.memory_space<hbm>>
    %dma_start3A_67 = arith.constant 0 : i32
    %dma_start3A_68 = tpu.memref_slice %arg4[%add3A_59, %dma_start3A_67] : memref<802816x32xf32, #tpu.memory_space<hbm>> -> memref<1568x32xf32, #tpu.memory_space<hbm>>
    %dma_start3A_69 = arith.constant 0 : i32
    %dma_start3A_70 = arith.constant 0 : i32
    %dma_start3A_71 = tpu.memref_slice %arg6[%dma_start3A_60, %dma_start3A_69, %dma_start3A_70] : memref<2x1568x32xf32, #tpu.memory_space<vmem>> -> memref<1x1568x32xf32, #tpu.memory_space<vmem>>
    %dma_start3A_72 = tpu.memref_squeeze %dma_start3A_71 : memref<1x1568x32xf32, #tpu.memory_space<vmem>> -> memref<1568x32xf32, #tpu.memory_space<vmem>>
    tpu.enqueue_dma source(%dma_start3A_72 : memref<1568x32xf32, #tpu.memory_space<vmem>>) target(%dma_start3A_68 : memref<1568x32xf32, #tpu.memory_space<hbm>>) target_semaphore(%arg10 : memref<!tpu.dma_semaphore, #tpu.memory_space<semaphore_mem>>)
    %dma_wait3A_73 = arith.constant 0 : i32
    %dma_wait3A_74 = arith.constant 0 : i32
    %dma_wait3A_75 = arith.constant 0 : i32
    %dma_wait3A_76 = tpu.memref_slice %arg6[%dma_wait3A_73, %dma_wait3A_74, %dma_wait3A_75] : memref<2x1568x32xf32, #tpu.memory_space<vmem>> -> memref<1x1568x32xf32, #tpu.memory_space<vmem>>
    %dma_wait3A_77 = tpu.memref_squeeze %dma_wait3A_76 : memref<1x1568x32xf32, #tpu.memory_space<vmem>> -> memref<1568x32xf32, #tpu.memory_space<vmem>>
    %dma_wait3A_78 = arith.constant 0 : i32
    %dma_wait3A_79 = tpu.memref_slice %arg4[%add3A_24, %dma_wait3A_78] : memref<802816x32xf32, #tpu.memory_space<hbm>> -> memref<1568x32xf32, #tpu.memory_space<hbm>>
    %dma_wait3A_80 = arith.constant 0 : i32
    %dma_wait3A_81 = tpu.memref_slice %arg4[%add3A_24, %dma_wait3A_80] : memref<802816x32xf32, #tpu.memory_space<hbm>> -> memref<1568x32xf32, #tpu.memory_space<hbm>>
    %dma_wait3A_82 = arith.constant 0 : i32
    %dma_wait3A_83 = arith.constant 0 : i32
    %dma_wait3A_84 = tpu.memref_slice %arg6[%dma_wait3A_73, %dma_wait3A_82, %dma_wait3A_83] : memref<2x1568x32xf32, #tpu.memory_space<vmem>> -> memref<1x1568x32xf32, #tpu.memory_space<vmem>>
    %dma_wait3A_85 = tpu.memref_squeeze %dma_wait3A_84 : memref<1x1568x32xf32, #tpu.memory_space<vmem>> -> memref<1568x32xf32, #tpu.memory_space<vmem>>
    tpu.wait_dma2 semaphore(%arg9 : memref<!tpu.dma_semaphore, #tpu.memory_space<semaphore_mem>>) src(%dma_wait3A_85 : memref<1568x32xf32, #tpu.memory_space<vmem>>) dst(%dma_wait3A_81 : memref<1568x32xf32, #tpu.memory_space<hbm>>)
    %dma_start3A_86 = arith.constant 0 : i32
    %dma_start3A_87 = arith.constant 0 : i32
    %dma_start3A_88 = arith.constant 0 : i32
    %dma_start3A_89 = tpu.memref_slice %arg6[%dma_start3A_86, %dma_start3A_87, %dma_start3A_88] : memref<2x1568x32xf32, #tpu.memory_space<vmem>> -> memref<1x1568x32xf32, #tpu.memory_space<vmem>>
    %dma_start3A_90 = tpu.memref_squeeze %dma_start3A_89 : memref<1x1568x32xf32, #tpu.memory_space<vmem>> -> memref<1568x32xf32, #tpu.memory_space<vmem>>
    %dma_start3A_91 = arith.constant 3136 : i32
    %dma_start3A_92 = tpu.memref_slice %arg5[%dma_start3A_91] : memref<25088xi32, #tpu.memory_space<vmem>> -> memref<1568xi32, #tpu.memory_space<vmem>>
    %dma_start3A_93 = arith.constant 0 : i32
    %dma_start3A_94 = arith.constant 0 : i32
    %dma_start3A_95 = tpu.memref_slice %arg7[%dma_start3A_93, %dma_start3A_94] : memref<32x32xf32, #tpu.memory_space<vmem_shared>> -> memref<32x32xf32, #tpu.memory_space<vmem_shared>>
    tpu.enqueue_indirect_dma source(%dma_start3A_95 : memref<32x32xf32, #tpu.memory_space<vmem_shared>>) target(%dma_start3A_90 : memref<1568x32xf32, #tpu.memory_space<vmem>>) offsets(%dma_start3A_92 : memref<1568xi32, #tpu.memory_space<vmem>>) semaphore(%arg8 : memref<!tpu.dma_semaphore, #tpu.memory_space<semaphore_mem>>)
    %dma_wait3A_96 = arith.constant 0 : i32
    %dma_wait3A_97 = arith.constant 0 : i32
    %dma_wait3A_98 = arith.constant 0 : i32
    %dma_wait3A_99 = tpu.memref_slice %arg6[%dma_wait3A_96, %dma_wait3A_97, %dma_wait3A_98] : memref<2x1568x32xf32, #tpu.memory_space<vmem>> -> memref<1x1568x32xf32, #tpu.memory_space<vmem>>
    %dma_wait3A_100 = tpu.memref_squeeze %dma_wait3A_99 : memref<1x1568x32xf32, #tpu.memory_space<vmem>> -> memref<1568x32xf32, #tpu.memory_space<vmem>>
    %dma_wait3A_101 = arith.constant 3136 : i32
    %dma_wait3A_102 = tpu.memref_slice %arg5[%dma_wait3A_101] : memref<25088xi32, #tpu.memory_space<vmem>> -> memref<1568xi32, #tpu.memory_space<vmem>>
    %dma_wait3A_103 = arith.constant 0 : i32
    %dma_wait3A_104 = arith.constant 0 : i32
    %dma_wait3A_105 = tpu.memref_slice %arg7[%dma_wait3A_103, %dma_wait3A_104] : memref<32x32xf32, #tpu.memory_space<vmem_shared>> -> memref<32x32xf32, #tpu.memory_space<vmem_shared>>
    tpu.wait_indirect_dma semaphore(%arg8 : memref<!tpu.dma_semaphore, #tpu.memory_space<semaphore_mem>>) src(%dma_wait3A_105 : memref<32x32xf32, #tpu.memory_space<vmem_shared>>) dst(%dma_wait3A_100 : memref<1568x32xf32, #tpu.memory_space<vmem>>)
    %add3A_106 = arith.constant 3136 : i32
    %add3A_107 = arith.addi %mul3A_2, %add3A_106 : i32
    %dma_start3A_108 = arith.constant 0 : i32
    %dma_start3A_109 = arith.constant 0 : i32
    %dma_start3A_110 = arith.constant 0 : i32
    %dma_start3A_111 = tpu.memref_slice %arg6[%dma_start3A_108, %dma_start3A_109, %dma_start3A_110] : memref<2x1568x32xf32, #tpu.memory_space<vmem>> -> memref<1x1568x32xf32, #tpu.memory_space<vmem>>
    %dma_start3A_112 = tpu.memref_squeeze %dma_start3A_111 : memref<1x1568x32xf32, #tpu.memory_space<vmem>> -> memref<1568x32xf32, #tpu.memory_space<vmem>>
    %dma_start3A_113 = arith.constant 0 : i32
    %dma_start3A_114 = tpu.memref_slice %arg4[%add3A_107, %dma_start3A_113] : memref<802816x32xf32, #tpu.memory_space<hbm>> -> memref<1568x32xf32, #tpu.memory_space<hbm>>
    %dma_start3A_115 = arith.constant 0 : i32
    %dma_start3A_116 = tpu.memref_slice %arg4[%add3A_107, %dma_start3A_115] : memref<802816x32xf32, #tpu.memory_space<hbm>> -> memref<1568x32xf32, #tpu.memory_space<hbm>>
    %dma_start3A_117 = arith.constant 0 : i32
    %dma_start3A_118 = arith.constant 0 : i32
    %dma_start3A_119 = tpu.memref_slice %arg6[%dma_start3A_108, %dma_start3A_117, %dma_start3A_118] : memref<2x1568x32xf32, #tpu.memory_space<vmem>> -> memref<1x1568x32xf32, #tpu.memory_space<vmem>>
    %dma_start3A_120 = tpu.memref_squeeze %dma_start3A_119 : memref<1x1568x32xf32, #tpu.memory_space<vmem>> -> memref<1568x32xf32, #tpu.memory_space<vmem>>
    tpu.enqueue_dma source(%dma_start3A_120 : memref<1568x32xf32, #tpu.memory_space<vmem>>) target(%dma_start3A_116 : memref<1568x32xf32, #tpu.memory_space<hbm>>) target_semaphore(%arg9 : memref<!tpu.dma_semaphore, #tpu.memory_space<semaphore_mem>>)
    %dma_wait3A_121 = arith.constant 1 : i32
    %dma_wait3A_122 = arith.constant 0 : i32
    %dma_wait3A_123 = arith.constant 0 : i32
    %dma_wait3A_124 = tpu.memref_slice %arg6[%dma_wait3A_121, %dma_wait3A_122, %dma_wait3A_123] : memref<2x1568x32xf32, #tpu.memory_space<vmem>> -> memref<1x1568x32xf32, #tpu.memory_space<vmem>>
    %dma_wait3A_125 = tpu.memref_squeeze %dma_wait3A_124 : memref<1x1568x32xf32, #tpu.memory_space<vmem>> -> memref<1568x32xf32, #tpu.memory_space<vmem>>
    %dma_wait3A_126 = arith.constant 0 : i32
    %dma_wait3A_127 = tpu.memref_slice %arg4[%add3A_59, %dma_wait3A_126] : memref<802816x32xf32, #tpu.memory_space<hbm>> -> memref<1568x32xf32, #tpu.memory_space<hbm>>
    %dma_wait3A_128 = arith.constant 0 : i32
    %dma_wait3A_129 = tpu.memref_slice %arg4[%add3A_59, %dma_wait3A_128] : memref<802816x32xf32, #tpu.memory_space<hbm>> -> memref<1568x32xf32, #tpu.memory_space<hbm>>
    %dma_wait3A_130 = arith.constant 0 : i32
    %dma_wait3A_131 = arith.constant 0 : i32
    %dma_wait3A_132 = tpu.memref_slice %arg6[%dma_wait3A_121, %dma_wait3A_130, %dma_wait3A_131] : memref<2x1568x32xf32, #tpu.memory_space<vmem>> -> memref<1x1568x32xf32, #tpu.memory_space<vmem>>
    %dma_wait3A_133 = tpu.memref_squeeze %dma_wait3A_132 : memref<1x1568x32xf32, #tpu.memory_space<vmem>> -> memref<1568x32xf32, #tpu.memory_space<vmem>>
    tpu.wait_dma2 semaphore(%arg10 : memref<!tpu.dma_semaphore, #tpu.memory_space<semaphore_mem>>) src(%dma_wait3A_133 : memref<1568x32xf32, #tpu.memory_space<vmem>>) dst(%dma_wait3A_129 : memref<1568x32xf32, #tpu.memory_space<hbm>>)
    %dma_start3A_134 = arith.constant 1 : i32
    %dma_start3A_135 = arith.constant 0 : i32
    %dma_start3A_136 = arith.constant 0 : i32
    %dma_start3A_137 = tpu.memref_slice %arg6[%dma_start3A_134, %dma_start3A_135, %dma_start3A_136] : memref<2x1568x32xf32, #tpu.memory_space<vmem>> -> memref<1x1568x32xf32, #tpu.memory_space<vmem>>
    %dma_start3A_138 = tpu.memref_squeeze %dma_start3A_137 : memref<1x1568x32xf32, #tpu.memory_space<vmem>> -> memref<1568x32xf32, #tpu.memory_space<vmem>>
    %dma_start3A_139 = arith.constant 4704 : i32
    %dma_start3A_140 = tpu.memref_slice %arg5[%dma_start3A_139] : memref<25088xi32, #tpu.memory_space<vmem>> -> memref<1568xi32, #tpu.memory_space<vmem>>
    %dma_start3A_141 = arith.constant 0 : i32
    %dma_start3A_142 = arith.constant 0 : i32
    %dma_start3A_143 = tpu.memref_slice %arg7[%dma_start3A_141, %dma_start3A_142] : memref<32x32xf32, #tpu.memory_space<vmem_shared>> -> memref<32x32xf32, #tpu.memory_space<vmem_shared>>
    tpu.enqueue_indirect_dma source(%dma_start3A_143 : memref<32x32xf32, #tpu.memory_space<vmem_shared>>) target(%dma_start3A_138 : memref<1568x32xf32, #tpu.memory_space<vmem>>) offsets(%dma_start3A_140 : memref<1568xi32, #tpu.memory_space<vmem>>) semaphore(%arg8 : memref<!tpu.dma_semaphore, #tpu.memory_space<semaphore_mem>>)
    %dma_wait3A_144 = arith.constant 1 : i32
    %dma_wait3A_145 = arith.constant 0 : i32
    %dma_wait3A_146 = arith.constant 0 : i32
    %dma_wait3A_147 = tpu.memref_slice %arg6[%dma_wait3A_144, %dma_wait3A_145, %dma_wait3A_146] : memref<2x1568x32xf32, #tpu.memory_space<vmem>> -> memref<1x1568x32xf32, #tpu.memory_space<vmem>>
    %dma_wait3A_148 = tpu.memref_squeeze %dma_wait3A_147 : memref<1x1568x32xf32, #tpu.memory_space<vmem>> -> memref<1568x32xf32, #tpu.memory_space<vmem>>
    %dma_wait3A_149 = arith.constant 4704 : i32
    %dma_wait3A_150 = tpu.memref_slice %arg5[%dma_wait3A_149] : memref<25088xi32, #tpu.memory_space<vmem>> -> memref<1568xi32, #tpu.memory_space<vmem>>
    %dma_wait3A_151 = arith.constant 0 : i32
    %dma_wait3A_152 = arith.constant 0 : i32
    %dma_wait3A_153 = tpu.memref_slice %arg7[%dma_wait3A_151, %dma_wait3A_152] : memref<32x32xf32, #tpu.memory_space<vmem_shared>> -> memref<32x32xf32, #tpu.memory_space<vmem_shared>>
    tpu.wait_indirect_dma semaphore(%arg8 : memref<!tpu.dma_semaphore, #tpu.memory_space<semaphore_mem>>) src(%dma_wait3A_153 : memref<32x32xf32, #tpu.memory_space<vmem_shared>>) dst(%dma_wait3A_148 : memref<1568x32xf32, #tpu.memory_space<vmem>>)
    %add3A_154 = arith.constant 4704 : i32
    %add3A_155 = arith.addi %mul3A_2, %add3A_154 : i32
    %dma_start3A_156 = arith.constant 1 : i32
    %dma_start3A_157 = arith.constant 0 : i32
    %dma_start3A_158 = arith.constant 0 : i32
    %dma_start3A_159 = tpu.memref_slice %arg6[%dma_start3A_156, %dma_start3A_157, %dma_start3A_158] : memref<2x1568x32xf32, #tpu.memory_space<vmem>> -> memref<1x1568x32xf32, #tpu.memory_space<vmem>>
    %dma_start3A_160 = tpu.memref_squeeze %dma_start3A_159 : memref<1x1568x32xf32, #tpu.memory_space<vmem>> -> memref<1568x32xf32, #tpu.memory_space<vmem>>
    %dma_start3A_161 = arith.constant 0 : i32
    %dma_start3A_162 = tpu.memref_slice %arg4[%add3A_155, %dma_start3A_161] : memref<802816x32xf32, #tpu.memory_space<hbm>> -> memref<1568x32xf32, #tpu.memory_space<hbm>>
    %dma_start3A_163 = arith.constant 0 : i32
    %dma_start3A_164 = tpu.memref_slice %arg4[%add3A_155, %dma_start3A_163] : memref<802816x32xf32, #tpu.memory_space<hbm>> -> memref<1568x32xf32, #tpu.memory_space<hbm>>
    %dma_start3A_165 = arith.constant 0 : i32
    %dma_start3A_166 = arith.constant 0 : i32
    %dma_start3A_167 = tpu.memref_slice %arg6[%dma_start3A_156, %dma_start3A_165, %dma_start3A_166] : memref<2x1568x32xf32, #tpu.memory_space<vmem>> -> memref<1x1568x32xf32, #tpu.memory_space<vmem>>
    %dma_start3A_168 = tpu.memref_squeeze %dma_start3A_167 : memref<1x1568x32xf32, #tpu.memory_space<vmem>> -> memref<1568x32xf32, #tpu.memory_space<vmem>>
    tpu.enqueue_dma source(%dma_start3A_168 : memref<1568x32xf32, #tpu.memory_space<vmem>>) target(%dma_start3A_164 : memref<1568x32xf32, #tpu.memory_space<hbm>>) target_semaphore(%arg10 : memref<!tpu.dma_semaphore, #tpu.memory_space<semaphore_mem>>)
    %dma_wait3A_169 = arith.constant 0 : i32
    %dma_wait3A_170 = arith.constant 0 : i32
    %dma_wait3A_171 = arith.constant 0 : i32
    %dma_wait3A_172 = tpu.memref_slice %arg6[%dma_wait3A_169, %dma_wait3A_170, %dma_wait3A_171] : memref<2x1568x32xf32, #tpu.memory_space<vmem>> -> memref<1x1568x32xf32, #tpu.memory_space<vmem>>
    %dma_wait3A_173 = tpu.memref_squeeze %dma_wait3A_172 : memref<1x1568x32xf32, #tpu.memory_space<vmem>> -> memref<1568x32xf32, #tpu.memory_space<vmem>>
    %dma_wait3A_174 = arith.constant 0 : i32
    %dma_wait3A_175 = tpu.memref_slice %arg4[%add3A_107, %dma_wait3A_174] : memref<802816x32xf32, #tpu.memory_space<hbm>> -> memref<1568x32xf32, #tpu.memory_space<hbm>>
    %dma_wait3A_176 = arith.constant 0 : i32
    %dma_wait3A_177 = tpu.memref_slice %arg4[%add3A_107, %dma_wait3A_176] : memref<802816x32xf32, #tpu.memory_space<hbm>> -> memref<1568x32xf32, #tpu.memory_space<hbm>>
    %dma_wait3A_178 = arith.constant 0 : i32
    %dma_wait3A_179 = arith.constant 0 : i32
    %dma_wait3A_180 = tpu.memref_slice %arg6[%dma_wait3A_169, %dma_wait3A_178, %dma_wait3A_179] : memref<2x1568x32xf32, #tpu.memory_space<vmem>> -> memref<1x1568x32xf32, #tpu.memory_space<vmem>>
    %dma_wait3A_181 = tpu.memref_squeeze %dma_wait3A_180 : memref<1x1568x32xf32, #tpu.memory_space<vmem>> -> memref<1568x32xf32, #tpu.memory_space<vmem>>
    tpu.wait_dma2 semaphore(%arg9 : memref<!tpu.dma_semaphore, #tpu.memory_space<semaphore_mem>>) src(%dma_wait3A_181 : memref<1568x32xf32, #tpu.memory_space<vmem>>) dst(%dma_wait3A_177 : memref<1568x32xf32, #tpu.memory_space<hbm>>)
    %dma_start3A_182 = arith.constant 0 : i32
    %dma_start3A_183 = arith.constant 0 : i32
    %dma_start3A_184 = arith.constant 0 : i32
    %dma_start3A_185 = tpu.memref_slice %arg6[%dma_start3A_182, %dma_start3A_183, %dma_start3A_184] : memref<2x1568x32xf32, #tpu.memory_space<vmem>> -> memref<1x1568x32xf32, #tpu.memory_space<vmem>>
    %dma_start3A_186 = tpu.memref_squeeze %dma_start3A_185 : memref<1x1568x32xf32, #tpu.memory_space<vmem>> -> memref<1568x32xf32, #tpu.memory_space<vmem>>
    %dma_start3A_187 = arith.constant 6272 : i32
    %dma_start3A_188 = tpu.memref_slice %arg5[%dma_start3A_187] : memref<25088xi32, #tpu.memory_space<vmem>> -> memref<1568xi32, #tpu.memory_space<vmem>>
    %dma_start3A_189 = arith.constant 0 : i32
    %dma_start3A_190 = arith.constant 0 : i32
    %dma_start3A_191 = tpu.memref_slice %arg7[%dma_start3A_189, %dma_start3A_190] : memref<32x32xf32, #tpu.memory_space<vmem_shared>> -> memref<32x32xf32, #tpu.memory_space<vmem_shared>>
    tpu.enqueue_indirect_dma source(%dma_start3A_191 : memref<32x32xf32, #tpu.memory_space<vmem_shared>>) target(%dma_start3A_186 : memref<1568x32xf32, #tpu.memory_space<vmem>>) offsets(%dma_start3A_188 : memref<1568xi32, #tpu.memory_space<vmem>>) semaphore(%arg8 : memref<!tpu.dma_semaphore, #tpu.memory_space<semaphore_mem>>)
    %dma_wait3A_192 = arith.constant 0 : i32
    %dma_wait3A_193 = arith.constant 0 : i32
    %dma_wait3A_194 = arith.constant 0 : i32
    %dma_wait3A_195 = tpu.memref_slice %arg6[%dma_wait3A_192, %dma_wait3A_193, %dma_wait3A_194] : memref<2x1568x32xf32, #tpu.memory_space<vmem>> -> memref<1x1568x32xf32, #tpu.memory_space<vmem>>
    %dma_wait3A_196 = tpu.memref_squeeze %dma_wait3A_195 : memref<1x1568x32xf32, #tpu.memory_space<vmem>> -> memref<1568x32xf32, #tpu.memory_space<vmem>>
    %dma_wait3A_197 = arith.constant 6272 : i32
    %dma_wait3A_198 = tpu.memref_slice %arg5[%dma_wait3A_197] : memref<25088xi32, #tpu.memory_space<vmem>> -> memref<1568xi32, #tpu.memory_space<vmem>>
    %dma_wait3A_199 = arith.constant 0 : i32
    %dma_wait3A_200 = arith.constant 0 : i32
    %dma_wait3A_201 = tpu.memref_slice %arg7[%dma_wait3A_199, %dma_wait3A_200] : memref<32x32xf32, #tpu.memory_space<vmem_shared>> -> memref<32x32xf32, #tpu.memory_space<vmem_shared>>
    tpu.wait_indirect_dma semaphore(%arg8 : memref<!tpu.dma_semaphore, #tpu.memory_space<semaphore_mem>>) src(%dma_wait3A_201 : memref<32x32xf32, #tpu.memory_space<vmem_shared>>) dst(%dma_wait3A_196 : memref<1568x32xf32, #tpu.memory_space<vmem>>)
    %add3A_202 = arith.constant 6272 : i32
    %add3A_203 = arith.addi %mul3A_2, %add3A_202 : i32
    %dma_start3A_204 = arith.constant 0 : i32
    %dma_start3A_205 = arith.constant 0 : i32
    %dma_start3A_206 = arith.constant 0 : i32
    %dma_start3A_207 = tpu.memref_slice %arg6[%dma_start3A_204, %dma_start3A_205, %dma_start3A_206] : memref<2x1568x32xf32, #tpu.memory_space<vmem>> -> memref<1x1568x32xf32, #tpu.memory_space<vmem>>
    %dma_start3A_208 = tpu.memref_squeeze %dma_start3A_207 : memref<1x1568x32xf32, #tpu.memory_space<vmem>> -> memref<1568x32xf32, #tpu.memory_space<vmem>>
    %dma_start3A_209 = arith.constant 0 : i32
    %dma_start3A_210 = tpu.memref_slice %arg4[%add3A_203, %dma_start3A_209] : memref<802816x32xf32, #tpu.memory_space<hbm>> -> memref<1568x32xf32, #tpu.memory_space<hbm>>
    %dma_start3A_211 = arith.constant 0 : i32
    %dma_start3A_212 = tpu.memref_slice %arg4[%add3A_203, %dma_start3A_211] : memref<802816x32xf32, #tpu.memory_space<hbm>> -> memref<1568x32xf32, #tpu.memory_space<hbm>>
    %dma_start3A_213 = arith.constant 0 : i32
    %dma_start3A_214 = arith.constant 0 : i32
    %dma_start3A_215 = tpu.memref_slice %arg6[%dma_start3A_204, %dma_start3A_213, %dma_start3A_214] : memref<2x1568x32xf32, #tpu.memory_space<vmem>> -> memref<1x1568x32xf32, #tpu.memory_space<vmem>>
    %dma_start3A_216 = tpu.memref_squeeze %dma_start3A_215 : memref<1x1568x32xf32, #tpu.memory_space<vmem>> -> memref<1568x32xf32, #tpu.memory_space<vmem>>
    tpu.enqueue_dma source(%dma_start3A_216 : memref<1568x32xf32, #tpu.memory_space<vmem>>) target(%dma_start3A_212 : memref<1568x32xf32, #tpu.memory_space<hbm>>) target_semaphore(%arg9 : memref<!tpu.dma_semaphore, #tpu.memory_space<semaphore_mem>>)
    %dma_wait3A_217 = arith.constant 1 : i32
    %dma_wait3A_218 = arith.constant 0 : i32
    %dma_wait3A_219 = arith.constant 0 : i32
    %dma_wait3A_220 = tpu.memref_slice %arg6[%dma_wait3A_217, %dma_wait3A_218, %dma_wait3A_219] : memref<2x1568x32xf32, #tpu.memory_space<vmem>> -> memref<1x1568x32xf32, #tpu.memory_space<vmem>>
    %dma_wait3A_221 = tpu.memref_squeeze %dma_wait3A_220 : memref<1x1568x32xf32, #tpu.memory_space<vmem>> -> memref<1568x32xf32, #tpu.memory_space<vmem>>
    %dma_wait3A_222 = arith.constant 0 : i32
    %dma_wait3A_223 = tpu.memref_slice %arg4[%add3A_155, %dma_wait3A_222] : memref<802816x32xf32, #tpu.memory_space<hbm>> -> memref<1568x32xf32, #tpu.memory_space<hbm>>
    %dma_wait3A_224 = arith.constant 0 : i32
    %dma_wait3A_225 = tpu.memref_slice %arg4[%add3A_155, %dma_wait3A_224] : memref<802816x32xf32, #tpu.memory_space<hbm>> -> memref<1568x32xf32, #tpu.memory_space<hbm>>
    %dma_wait3A_226 = arith.constant 0 : i32
    %dma_wait3A_227 = arith.constant 0 : i32
    %dma_wait3A_228 = tpu.memref_slice %arg6[%dma_wait3A_217, %dma_wait3A_226, %dma_wait3A_227] : memref<2x1568x32xf32, #tpu.memory_space<vmem>> -> memref<1x1568x32xf32, #tpu.memory_space<vmem>>
    %dma_wait3A_229 = tpu.memref_squeeze %dma_wait3A_228 : memref<1x1568x32xf32, #tpu.memory_space<vmem>> -> memref<1568x32xf32, #tpu.memory_space<vmem>>
    tpu.wait_dma2 semaphore(%arg10 : memref<!tpu.dma_semaphore, #tpu.memory_space<semaphore_mem>>) src(%dma_wait3A_229 : memref<1568x32xf32, #tpu.memory_space<vmem>>) dst(%dma_wait3A_225 : memref<1568x32xf32, #tpu.memory_space<hbm>>)
    %dma_start3A_230 = arith.constant 1 : i32
    %dma_start3A_231 = arith.constant 0 : i32
    %dma_start3A_232 = arith.constant 0 : i32
    %dma_start3A_233 = tpu.memref_slice %arg6[%dma_start3A_230, %dma_start3A_231, %dma_start3A_232] : memref<2x1568x32xf32, #tpu.memory_space<vmem>> -> memref<1x1568x32xf32, #tpu.memory_space<vmem>>
    %dma_start3A_234 = tpu.memref_squeeze %dma_start3A_233 : memref<1x1568x32xf32, #tpu.memory_space<vmem>> -> memref<1568x32xf32, #tpu.memory_space<vmem>>
    %dma_start3A_235 = arith.constant 7840 : i32
    %dma_start3A_236 = tpu.memref_slice %arg5[%dma_start3A_235] : memref<25088xi32, #tpu.memory_space<vmem>> -> memref<1568xi32, #tpu.memory_space<vmem>>
    %dma_start3A_237 = arith.constant 0 : i32
    %dma_start3A_238 = arith.constant 0 : i32
    %dma_start3A_239 = tpu.memref_slice %arg7[%dma_start3A_237, %dma_start3A_238] : memref<32x32xf32, #tpu.memory_space<vmem_shared>> -> memref<32x32xf32, #tpu.memory_space<vmem_shared>>
    tpu.enqueue_indirect_dma source(%dma_start3A_239 : memref<32x32xf32, #tpu.memory_space<vmem_shared>>) target(%dma_start3A_234 : memref<1568x32xf32, #tpu.memory_space<vmem>>) offsets(%dma_start3A_236 : memref<1568xi32, #tpu.memory_space<vmem>>) semaphore(%arg8 : memref<!tpu.dma_semaphore, #tpu.memory_space<semaphore_mem>>)
    %dma_wait3A_240 = arith.constant 1 : i32
    %dma_wait3A_241 = arith.constant 0 : i32
    %dma_wait3A_242 = arith.constant 0 : i32
    %dma_wait3A_243 = tpu.memref_slice %arg6[%dma_wait3A_240, %dma_wait3A_241, %dma_wait3A_242] : memref<2x1568x32xf32, #tpu.memory_space<vmem>> -> memref<1x1568x32xf32, #tpu.memory_space<vmem>>
    %dma_wait3A_244 = tpu.memref_squeeze %dma_wait3A_243 : memref<1x1568x32xf32, #tpu.memory_space<vmem>> -> memref<1568x32xf32, #tpu.memory_space<vmem>>
    %dma_wait3A_245 = arith.constant 7840 : i32
    %dma_wait3A_246 = tpu.memref_slice %arg5[%dma_wait3A_245] : memref<25088xi32, #tpu.memory_space<vmem>> -> memref<1568xi32, #tpu.memory_space<vmem>>
    %dma_wait3A_247 = arith.constant 0 : i32
    %dma_wait3A_248 = arith.constant 0 : i32
    %dma_wait3A_249 = tpu.memref_slice %arg7[%dma_wait3A_247, %dma_wait3A_248] : memref<32x32xf32, #tpu.memory_space<vmem_shared>> -> memref<32x32xf32, #tpu.memory_space<vmem_shared>>
    tpu.wait_indirect_dma semaphore(%arg8 : memref<!tpu.dma_semaphore, #tpu.memory_space<semaphore_mem>>) src(%dma_wait3A_249 : memref<32x32xf32, #tpu.memory_space<vmem_shared>>) dst(%dma_wait3A_244 : memref<1568x32xf32, #tpu.memory_space<vmem>>)
    %add3A_250 = arith.constant 7840 : i32
    %add3A_251 = arith.addi %mul3A_2, %add3A_250 : i32
    %dma_start3A_252 = arith.constant 1 : i32
    %dma_start3A_253 = arith.constant 0 : i32
    %dma_start3A_254 = arith.constant 0 : i32
    %dma_start3A_255 = tpu.memref_slice %arg6[%dma_start3A_252, %dma_start3A_253, %dma_start3A_254] : memref<2x1568x32xf32, #tpu.memory_space<vmem>> -> memref<1x1568x32xf32, #tpu.memory_space<vmem>>
    %dma_start3A_256 = tpu.memref_squeeze %dma_start3A_255 : memref<1x1568x32xf32, #tpu.memory_space<vmem>> -> memref<1568x32xf32, #tpu.memory_space<vmem>>
    %dma_start3A_257 = arith.constant 0 : i32
    %dma_start3A_258 = tpu.memref_slice %arg4[%add3A_251, %dma_start3A_257] : memref<802816x32xf32, #tpu.memory_space<hbm>> -> memref<1568x32xf32, #tpu.memory_space<hbm>>
    %dma_start3A_259 = arith.constant 0 : i32
    %dma_start3A_260 = tpu.memref_slice %arg4[%add3A_251, %dma_start3A_259] : memref<802816x32xf32, #tpu.memory_space<hbm>> -> memref<1568x32xf32, #tpu.memory_space<hbm>>
    %dma_start3A_261 = arith.constant 0 : i32
    %dma_start3A_262 = arith.constant 0 : i32
    %dma_start3A_263 = tpu.memref_slice %arg6[%dma_start3A_252, %dma_start3A_261, %dma_start3A_262] : memref<2x1568x32xf32, #tpu.memory_space<vmem>> -> memref<1x1568x32xf32, #tpu.memory_space<vmem>>
    %dma_start3A_264 = tpu.memref_squeeze %dma_start3A_263 : memref<1x1568x32xf32, #tpu.memory_space<vmem>> -> memref<1568x32xf32, #tpu.memory_space<vmem>>
    tpu.enqueue_dma source(%dma_start3A_264 : memref<1568x32xf32, #tpu.memory_space<vmem>>) target(%dma_start3A_260 : memref<1568x32xf32, #tpu.memory_space<hbm>>) target_semaphore(%arg10 : memref<!tpu.dma_semaphore, #tpu.memory_space<semaphore_mem>>)
    %dma_wait3A_265 = arith.constant 0 : i32
    %dma_wait3A_266 = arith.constant 0 : i32
    %dma_wait3A_267 = arith.constant 0 : i32
    %dma_wait3A_268 = tpu.memref_slice %arg6[%dma_wait3A_265, %dma_wait3A_266, %dma_wait3A_267] : memref<2x1568x32xf32, #tpu.memory_space<vmem>> -> memref<1x1568x32xf32, #tpu.memory_space<vmem>>
    %dma_wait3A_269 = tpu.memref_squeeze %dma_wait3A_268 : memref<1x1568x32xf32, #tpu.memory_space<vmem>> -> memref<1568x32xf32, #tpu.memory_space<vmem>>
    %dma_wait3A_270 = arith.constant 0 : i32
    %dma_wait3A_271 = tpu.memref_slice %arg4[%add3A_203, %dma_wait3A_270] : memref<802816x32xf32, #tpu.memory_space<hbm>> -> memref<1568x32xf32, #tpu.memory_space<hbm>>
    %dma_wait3A_272 = arith.constant 0 : i32
    %dma_wait3A_273 = tpu.memref_slice %arg4[%add3A_203, %dma_wait3A_272] : memref<802816x32xf32, #tpu.memory_space<hbm>> -> memref<1568x32xf32, #tpu.memory_space<hbm>>
    %dma_wait3A_274 = arith.constant 0 : i32
    %dma_wait3A_275 = arith.constant 0 : i32
    %dma_wait3A_276 = tpu.memref_slice %arg6[%dma_wait3A_265, %dma_wait3A_274, %dma_wait3A_275] : memref<2x1568x32xf32, #tpu.memory_space<vmem>> -> memref<1x1568x32xf32, #tpu.memory_space<vmem>>
    %dma_wait3A_277 = tpu.memref_squeeze %dma_wait3A_276 : memref<1x1568x32xf32, #tpu.memory_space<vmem>> -> memref<1568x32xf32, #tpu.memory_space<vmem>>
    tpu.wait_dma2 semaphore(%arg9 : memref<!tpu.dma_semaphore, #tpu.memory_space<semaphore_mem>>) src(%dma_wait3A_277 : memref<1568x32xf32, #tpu.memory_space<vmem>>) dst(%dma_wait3A_273 : memref<1568x32xf32, #tpu.memory_space<hbm>>)
    %dma_start3A_278 = arith.constant 0 : i32
    %dma_start3A_279 = arith.constant 0 : i32
    %dma_start3A_280 = arith.constant 0 : i32
    %dma_start3A_281 = tpu.memref_slice %arg6[%dma_start3A_278, %dma_start3A_279, %dma_start3A_280] : memref<2x1568x32xf32, #tpu.memory_space<vmem>> -> memref<1x1568x32xf32, #tpu.memory_space<vmem>>
    %dma_start3A_282 = tpu.memref_squeeze %dma_start3A_281 : memref<1x1568x32xf32, #tpu.memory_space<vmem>> -> memref<1568x32xf32, #tpu.memory_space<vmem>>
    %dma_start3A_283 = arith.constant 9408 : i32
    %dma_start3A_284 = tpu.memref_slice %arg5[%dma_start3A_283] : memref<25088xi32, #tpu.memory_space<vmem>> -> memref<1568xi32, #tpu.memory_space<vmem>>
    %dma_start3A_285 = arith.constant 0 : i32
    %dma_start3A_286 = arith.constant 0 : i32
    %dma_start3A_287 = tpu.memref_slice %arg7[%dma_start3A_285, %dma_start3A_286] : memref<32x32xf32, #tpu.memory_space<vmem_shared>> -> memref<32x32xf32, #tpu.memory_space<vmem_shared>>
    tpu.enqueue_indirect_dma source(%dma_start3A_287 : memref<32x32xf32, #tpu.memory_space<vmem_shared>>) target(%dma_start3A_282 : memref<1568x32xf32, #tpu.memory_space<vmem>>) offsets(%dma_start3A_284 : memref<1568xi32, #tpu.memory_space<vmem>>) semaphore(%arg8 : memref<!tpu.dma_semaphore, #tpu.memory_space<semaphore_mem>>)
    %dma_wait3A_288 = arith.constant 0 : i32
    %dma_wait3A_289 = arith.constant 0 : i32
    %dma_wait3A_290 = arith.constant 0 : i32
    %dma_wait3A_291 = tpu.memref_slice %arg6[%dma_wait3A_288, %dma_wait3A_289, %dma_wait3A_290] : memref<2x1568x32xf32, #tpu.memory_space<vmem>> -> memref<1x1568x32xf32, #tpu.memory_space<vmem>>
    %dma_wait3A_292 = tpu.memref_squeeze %dma_wait3A_291 : memref<1x1568x32xf32, #tpu.memory_space<vmem>> -> memref<1568x32xf32, #tpu.memory_space<vmem>>
    %dma_wait3A_293 = arith.constant 9408 : i32
    %dma_wait3A_294 = tpu.memref_slice %arg5[%dma_wait3A_293] : memref<25088xi32, #tpu.memory_space<vmem>> -> memref<1568xi32, #tpu.memory_space<vmem>>
    %dma_wait3A_295 = arith.constant 0 : i32
    %dma_wait3A_296 = arith.constant 0 : i32
    %dma_wait3A_297 = tpu.memref_slice %arg7[%dma_wait3A_295, %dma_wait3A_296] : memref<32x32xf32, #tpu.memory_space<vmem_shared>> -> memref<32x32xf32, #tpu.memory_space<vmem_shared>>
    tpu.wait_indirect_dma semaphore(%arg8 : memref<!tpu.dma_semaphore, #tpu.memory_space<semaphore_mem>>) src(%dma_wait3A_297 : memref<32x32xf32, #tpu.memory_space<vmem_shared>>) dst(%dma_wait3A_292 : memref<1568x32xf32, #tpu.memory_space<vmem>>)
    %add3A_298 = arith.constant 9408 : i32
    %add3A_299 = arith.addi %mul3A_2, %add3A_298 : i32
    %dma_start3A_300 = arith.constant 0 : i32
    %dma_start3A_301 = arith.constant 0 : i32
    %dma_start3A_302 = arith.constant 0 : i32
    %dma_start3A_303 = tpu.memref_slice %arg6[%dma_start3A_300, %dma_start3A_301, %dma_start3A_302] : memref<2x1568x32xf32, #tpu.memory_space<vmem>> -> memref<1x1568x32xf32, #tpu.memory_space<vmem>>
    %dma_start3A_304 = tpu.memref_squeeze %dma_start3A_303 : memref<1x1568x32xf32, #tpu.memory_space<vmem>> -> memref<1568x32xf32, #tpu.memory_space<vmem>>
    %dma_start3A_305 = arith.constant 0 : i32
    %dma_start3A_306 = tpu.memref_slice %arg4[%add3A_299, %dma_start3A_305] : memref<802816x32xf32, #tpu.memory_space<hbm>> -> memref<1568x32xf32, #tpu.memory_space<hbm>>
    %dma_start3A_307 = arith.constant 0 : i32
    %dma_start3A_308 = tpu.memref_slice %arg4[%add3A_299, %dma_start3A_307] : memref<802816x32xf32, #tpu.memory_space<hbm>> -> memref<1568x32xf32, #tpu.memory_space<hbm>>
    %dma_start3A_309 = arith.constant 0 : i32
    %dma_start3A_310 = arith.constant 0 : i32
    %dma_start3A_311 = tpu.memref_slice %arg6[%dma_start3A_300, %dma_start3A_309, %dma_start3A_310] : memref<2x1568x32xf32, #tpu.memory_space<vmem>> -> memref<1x1568x32xf32, #tpu.memory_space<vmem>>
    %dma_start3A_312 = tpu.memref_squeeze %dma_start3A_311 : memref<1x1568x32xf32, #tpu.memory_space<vmem>> -> memref<1568x32xf32, #tpu.memory_space<vmem>>
    tpu.enqueue_dma source(%dma_start3A_312 : memref<1568x32xf32, #tpu.memory_space<vmem>>) target(%dma_start3A_308 : memref<1568x32xf32, #tpu.memory_space<hbm>>) target_semaphore(%arg9 : memref<!tpu.dma_semaphore, #tpu.memory_space<semaphore_mem>>)
    %dma_wait3A_313 = arith.constant 1 : i32
    %dma_wait3A_314 = arith.constant 0 : i32
    %dma_wait3A_315 = arith.constant 0 : i32
    %dma_wait3A_316 = tpu.memref_slice %arg6[%dma_wait3A_313, %dma_wait3A_314, %dma_wait3A_315] : memref<2x1568x32xf32, #tpu.memory_space<vmem>> -> memref<1x1568x32xf32, #tpu.memory_space<vmem>>
    %dma_wait3A_317 = tpu.memref_squeeze %dma_wait3A_316 : memref<1x1568x32xf32, #tpu.memory_space<vmem>> -> memref<1568x32xf32, #tpu.memory_space<vmem>>
    %dma_wait3A_318 = arith.constant 0 : i32
    %dma_wait3A_319 = tpu.memref_slice %arg4[%add3A_251, %dma_wait3A_318] : memref<802816x32xf32, #tpu.memory_space<hbm>> -> memref<1568x32xf32, #tpu.memory_space<hbm>>
    %dma_wait3A_320 = arith.constant 0 : i32
    %dma_wait3A_321 = tpu.memref_slice %arg4[%add3A_251, %dma_wait3A_320] : memref<802816x32xf32, #tpu.memory_space<hbm>> -> memref<1568x32xf32, #tpu.memory_space<hbm>>
    %dma_wait3A_322 = arith.constant 0 : i32
    %dma_wait3A_323 = arith.constant 0 : i32
    %dma_wait3A_324 = tpu.memref_slice %arg6[%dma_wait3A_313, %dma_wait3A_322, %dma_wait3A_323] : memref<2x1568x32xf32, #tpu.memory_space<vmem>> -> memref<1x1568x32xf32, #tpu.memory_space<vmem>>
    %dma_wait3A_325 = tpu.memref_squeeze %dma_wait3A_324 : memref<1x1568x32xf32, #tpu.memory_space<vmem>> -> memref<1568x32xf32, #tpu.memory_space<vmem>>
    tpu.wait_dma2 semaphore(%arg10 : memref<!tpu.dma_semaphore, #tpu.memory_space<semaphore_mem>>) src(%dma_wait3A_325 : memref<1568x32xf32, #tpu.memory_space<vmem>>) dst(%dma_wait3A_321 : memref<1568x32xf32, #tpu.memory_space<hbm>>)
    %dma_start3A_326 = arith.constant 1 : i32
    %dma_start3A_327 = arith.constant 0 : i32
    %dma_start3A_328 = arith.constant 0 : i32
    %dma_start3A_329 = tpu.memref_slice %arg6[%dma_start3A_326, %dma_start3A_327, %dma_start3A_328] : memref<2x1568x32xf32, #tpu.memory_space<vmem>> -> memref<1x1568x32xf32, #tpu.memory_space<vmem>>
    %dma_start3A_330 = tpu.memref_squeeze %dma_start3A_329 : memref<1x1568x32xf32, #tpu.memory_space<vmem>> -> memref<1568x32xf32, #tpu.memory_space<vmem>>
    %dma_start3A_331 = arith.constant 10976 : i32
    %dma_start3A_332 = tpu.memref_slice %arg5[%dma_start3A_331] : memref<25088xi32, #tpu.memory_space<vmem>> -> memref<1568xi32, #tpu.memory_space<vmem>>
    %dma_start3A_333 = arith.constant 0 : i32
    %dma_start3A_334 = arith.constant 0 : i32
    %dma_start3A_335 = tpu.memref_slice %arg7[%dma_start3A_333, %dma_start3A_334] : memref<32x32xf32, #tpu.memory_space<vmem_shared>> -> memref<32x32xf32, #tpu.memory_space<vmem_shared>>
    tpu.enqueue_indirect_dma source(%dma_start3A_335 : memref<32x32xf32, #tpu.memory_space<vmem_shared>>) target(%dma_start3A_330 : memref<1568x32xf32, #tpu.memory_space<vmem>>) offsets(%dma_start3A_332 : memref<1568xi32, #tpu.memory_space<vmem>>) semaphore(%arg8 : memref<!tpu.dma_semaphore, #tpu.memory_space<semaphore_mem>>)
    %dma_wait3A_336 = arith.constant 1 : i32
    %dma_wait3A_337 = arith.constant 0 : i32
    %dma_wait3A_338 = arith.constant 0 : i32
    %dma_wait3A_339 = tpu.memref_slice %arg6[%dma_wait3A_336, %dma_wait3A_337, %dma_wait3A_338] : memref<2x1568x32xf32, #tpu.memory_space<vmem>> -> memref<1x1568x32xf32, #tpu.memory_space<vmem>>
    %dma_wait3A_340 = tpu.memref_squeeze %dma_wait3A_339 : memref<1x1568x32xf32, #tpu.memory_space<vmem>> -> memref<1568x32xf32, #tpu.memory_space<vmem>>
    %dma_wait3A_341 = arith.constant 10976 : i32
    %dma_wait3A_342 = tpu.memref_slice %arg5[%dma_wait3A_341] : memref<25088xi32, #tpu.memory_space<vmem>> -> memref<1568xi32, #tpu.memory_space<vmem>>
    %dma_wait3A_343 = arith.constant 0 : i32
    %dma_wait3A_344 = arith.constant 0 : i32
    %dma_wait3A_345 = tpu.memref_slice %arg7[%dma_wait3A_343, %dma_wait3A_344] : memref<32x32xf32, #tpu.memory_space<vmem_shared>> -> memref<32x32xf32, #tpu.memory_space<vmem_shared>>
    tpu.wait_indirect_dma semaphore(%arg8 : memref<!tpu.dma_semaphore, #tpu.memory_space<semaphore_mem>>) src(%dma_wait3A_345 : memref<32x32xf32, #tpu.memory_space<vmem_shared>>) dst(%dma_wait3A_340 : memref<1568x32xf32, #tpu.memory_space<vmem>>)
    %add3A_346 = arith.constant 10976 : i32
    %add3A_347 = arith.addi %mul3A_2, %add3A_346 : i32
    %dma_start3A_348 = arith.constant 1 : i32
    %dma_start3A_349 = arith.constant 0 : i32
    %dma_start3A_350 = arith.constant 0 : i32
    %dma_start3A_351 = tpu.memref_slice %arg6[%dma_start3A_348, %dma_start3A_349, %dma_start3A_350] : memref<2x1568x32xf32, #tpu.memory_space<vmem>> -> memref<1x1568x32xf32, #tpu.memory_space<vmem>>
    %dma_start3A_352 = tpu.memref_squeeze %dma_start3A_351 : memref<1x1568x32xf32, #tpu.memory_space<vmem>> -> memref<1568x32xf32, #tpu.memory_space<vmem>>
    %dma_start3A_353 = arith.constant 0 : i32
    %dma_start3A_354 = tpu.memref_slice %arg4[%add3A_347, %dma_start3A_353] : memref<802816x32xf32, #tpu.memory_space<hbm>> -> memref<1568x32xf32, #tpu.memory_space<hbm>>
    %dma_start3A_355 = arith.constant 0 : i32
    %dma_start3A_356 = tpu.memref_slice %arg4[%add3A_347, %dma_start3A_355] : memref<802816x32xf32, #tpu.memory_space<hbm>> -> memref<1568x32xf32, #tpu.memory_space<hbm>>
    %dma_start3A_357 = arith.constant 0 : i32
    %dma_start3A_358 = arith.constant 0 : i32
    %dma_start3A_359 = tpu.memref_slice %arg6[%dma_start3A_348, %dma_start3A_357, %dma_start3A_358] : memref<2x1568x32xf32, #tpu.memory_space<vmem>> -> memref<1x1568x32xf32, #tpu.memory_space<vmem>>
    %dma_start3A_360 = tpu.memref_squeeze %dma_start3A_359 : memref<1x1568x32xf32, #tpu.memory_space<vmem>> -> memref<1568x32xf32, #tpu.memory_space<vmem>>
    tpu.enqueue_dma source(%dma_start3A_360 : memref<1568x32xf32, #tpu.memory_space<vmem>>) target(%dma_start3A_356 : memref<1568x32xf32, #tpu.memory_space<hbm>>) target_semaphore(%arg10 : memref<!tpu.dma_semaphore, #tpu.memory_space<semaphore_mem>>)
    %dma_wait3A_361 = arith.constant 0 : i32
    %dma_wait3A_362 = arith.constant 0 : i32
    %dma_wait3A_363 = arith.constant 0 : i32
    %dma_wait3A_364 = tpu.memref_slice %arg6[%dma_wait3A_361, %dma_wait3A_362, %dma_wait3A_363] : memref<2x1568x32xf32, #tpu.memory_space<vmem>> -> memref<1x1568x32xf32, #tpu.memory_space<vmem>>
    %dma_wait3A_365 = tpu.memref_squeeze %dma_wait3A_364 : memref<1x1568x32xf32, #tpu.memory_space<vmem>> -> memref<1568x32xf32, #tpu.memory_space<vmem>>
    %dma_wait3A_366 = arith.constant 0 : i32
    %dma_wait3A_367 = tpu.memref_slice %arg4[%add3A_299, %dma_wait3A_366] : memref<802816x32xf32, #tpu.memory_space<hbm>> -> memref<1568x32xf32, #tpu.memory_space<hbm>>
    %dma_wait3A_368 = arith.constant 0 : i32
    %dma_wait3A_369 = tpu.memref_slice %arg4[%add3A_299, %dma_wait3A_368] : memref<802816x32xf32, #tpu.memory_space<hbm>> -> memref<1568x32xf32, #tpu.memory_space<hbm>>
    %dma_wait3A_370 = arith.constant 0 : i32
    %dma_wait3A_371 = arith.constant 0 : i32
    %dma_wait3A_372 = tpu.memref_slice %arg6[%dma_wait3A_361, %dma_wait3A_370, %dma_wait3A_371] : memref<2x1568x32xf32, #tpu.memory_space<vmem>> -> memref<1x1568x32xf32, #tpu.memory_space<vmem>>
    %dma_wait3A_373 = tpu.memref_squeeze %dma_wait3A_372 : memref<1x1568x32xf32, #tpu.memory_space<vmem>> -> memref<1568x32xf32, #tpu.memory_space<vmem>>
    tpu.wait_dma2 semaphore(%arg9 : memref<!tpu.dma_semaphore, #tpu.memory_space<semaphore_mem>>) src(%dma_wait3A_373 : memref<1568x32xf32, #tpu.memory_space<vmem>>) dst(%dma_wait3A_369 : memref<1568x32xf32, #tpu.memory_space<hbm>>)
    %dma_start3A_374 = arith.constant 0 : i32
    %dma_start3A_375 = arith.constant 0 : i32
    %dma_start3A_376 = arith.constant 0 : i32
    %dma_start3A_377 = tpu.memref_slice %arg6[%dma_start3A_374, %dma_start3A_375, %dma_start3A_376] : memref<2x1568x32xf32, #tpu.memory_space<vmem>> -> memref<1x1568x32xf32, #tpu.memory_space<vmem>>
    %dma_start3A_378 = tpu.memref_squeeze %dma_start3A_377 : memref<1x1568x32xf32, #tpu.memory_space<vmem>> -> memref<1568x32xf32, #tpu.memory_space<vmem>>
    %dma_start3A_379 = arith.constant 12544 : i32
    %dma_start3A_380 = tpu.memref_slice %arg5[%dma_start3A_379] : memref<25088xi32, #tpu.memory_space<vmem>> -> memref<1568xi32, #tpu.memory_space<vmem>>
    %dma_start3A_381 = arith.constant 0 : i32
    %dma_start3A_382 = arith.constant 0 : i32
    %dma_start3A_383 = tpu.memref_slice %arg7[%dma_start3A_381, %dma_start3A_382] : memref<32x32xf32, #tpu.memory_space<vmem_shared>> -> memref<32x32xf32, #tpu.memory_space<vmem_shared>>
    tpu.enqueue_indirect_dma source(%dma_start3A_383 : memref<32x32xf32, #tpu.memory_space<vmem_shared>>) target(%dma_start3A_378 : memref<1568x32xf32, #tpu.memory_space<vmem>>) offsets(%dma_start3A_380 : memref<1568xi32, #tpu.memory_space<vmem>>) semaphore(%arg8 : memref<!tpu.dma_semaphore, #tpu.memory_space<semaphore_mem>>)
    %dma_wait3A_384 = arith.constant 0 : i32
    %dma_wait3A_385 = arith.constant 0 : i32
    %dma_wait3A_386 = arith.constant 0 : i32
    %dma_wait3A_387 = tpu.memref_slice %arg6[%dma_wait3A_384, %dma_wait3A_385, %dma_wait3A_386] : memref<2x1568x32xf32, #tpu.memory_space<vmem>> -> memref<1x1568x32xf32, #tpu.memory_space<vmem>>
    %dma_wait3A_388 = tpu.memref_squeeze %dma_wait3A_387 : memref<1x1568x32xf32, #tpu.memory_space<vmem>> -> memref<1568x32xf32, #tpu.memory_space<vmem>>
    %dma_wait3A_389 = arith.constant 12544 : i32
    %dma_wait3A_390 = tpu.memref_slice %arg5[%dma_wait3A_389] : memref<25088xi32, #tpu.memory_space<vmem>> -> memref<1568xi32, #tpu.memory_space<vmem>>
    %dma_wait3A_391 = arith.constant 0 : i32
    %dma_wait3A_392 = arith.constant 0 : i32
    %dma_wait3A_393 = tpu.memref_slice %arg7[%dma_wait3A_391, %dma_wait3A_392] : memref<32x32xf32, #tpu.memory_space<vmem_shared>> -> memref<32x32xf32, #tpu.memory_space<vmem_shared>>
    tpu.wait_indirect_dma semaphore(%arg8 : memref<!tpu.dma_semaphore, #tpu.memory_space<semaphore_mem>>) src(%dma_wait3A_393 : memref<32x32xf32, #tpu.memory_space<vmem_shared>>) dst(%dma_wait3A_388 : memref<1568x32xf32, #tpu.memory_space<vmem>>)
    %add3A_394 = arith.constant 12544 : i32
    %add3A_395 = arith.addi %mul3A_2, %add3A_394 : i32
    %dma_start3A_396 = arith.constant 0 : i32
    %dma_start3A_397 = arith.constant 0 : i32
    %dma_start3A_398 = arith.constant 0 : i32
    %dma_start3A_399 = tpu.memref_slice %arg6[%dma_start3A_396, %dma_start3A_397, %dma_start3A_398] : memref<2x1568x32xf32, #tpu.memory_space<vmem>> -> memref<1x1568x32xf32, #tpu.memory_space<vmem>>
    %dma_start3A_400 = tpu.memref_squeeze %dma_start3A_399 : memref<1x1568x32xf32, #tpu.memory_space<vmem>> -> memref<1568x32xf32, #tpu.memory_space<vmem>>
    %dma_start3A_401 = arith.constant 0 : i32
    %dma_start3A_402 = tpu.memref_slice %arg4[%add3A_395, %dma_start3A_401] : memref<802816x32xf32, #tpu.memory_space<hbm>> -> memref<1568x32xf32, #tpu.memory_space<hbm>>
    %dma_start3A_403 = arith.constant 0 : i32
    %dma_start3A_404 = tpu.memref_slice %arg4[%add3A_395, %dma_start3A_403] : memref<802816x32xf32, #tpu.memory_space<hbm>> -> memref<1568x32xf32, #tpu.memory_space<hbm>>
    %dma_start3A_405 = arith.constant 0 : i32
    %dma_start3A_406 = arith.constant 0 : i32
    %dma_start3A_407 = tpu.memref_slice %arg6[%dma_start3A_396, %dma_start3A_405, %dma_start3A_406] : memref<2x1568x32xf32, #tpu.memory_space<vmem>> -> memref<1x1568x32xf32, #tpu.memory_space<vmem>>
    %dma_start3A_408 = tpu.memref_squeeze %dma_start3A_407 : memref<1x1568x32xf32, #tpu.memory_space<vmem>> -> memref<1568x32xf32, #tpu.memory_space<vmem>>
    tpu.enqueue_dma source(%dma_start3A_408 : memref<1568x32xf32, #tpu.memory_space<vmem>>) target(%dma_start3A_404 : memref<1568x32xf32, #tpu.memory_space<hbm>>) target_semaphore(%arg9 : memref<!tpu.dma_semaphore, #tpu.memory_space<semaphore_mem>>)
    %dma_wait3A_409 = arith.constant 1 : i32
    %dma_wait3A_410 = arith.constant 0 : i32
    %dma_wait3A_411 = arith.constant 0 : i32
    %dma_wait3A_412 = tpu.memref_slice %arg6[%dma_wait3A_409, %dma_wait3A_410, %dma_wait3A_411] : memref<2x1568x32xf32, #tpu.memory_space<vmem>> -> memref<1x1568x32xf32, #tpu.memory_space<vmem>>
    %dma_wait3A_413 = tpu.memref_squeeze %dma_wait3A_412 : memref<1x1568x32xf32, #tpu.memory_space<vmem>> -> memref<1568x32xf32, #tpu.memory_space<vmem>>
    %dma_wait3A_414 = arith.constant 0 : i32
    %dma_wait3A_415 = tpu.memref_slice %arg4[%add3A_347, %dma_wait3A_414] : memref<802816x32xf32, #tpu.memory_space<hbm>> -> memref<1568x32xf32, #tpu.memory_space<hbm>>
    %dma_wait3A_416 = arith.constant 0 : i32
    %dma_wait3A_417 = tpu.memref_slice %arg4[%add3A_347, %dma_wait3A_416] : memref<802816x32xf32, #tpu.memory_space<hbm>> -> memref<1568x32xf32, #tpu.memory_space<hbm>>
    %dma_wait3A_418 = arith.constant 0 : i32
    %dma_wait3A_419 = arith.constant 0 : i32
    %dma_wait3A_420 = tpu.memref_slice %arg6[%dma_wait3A_409, %dma_wait3A_418, %dma_wait3A_419] : memref<2x1568x32xf32, #tpu.memory_space<vmem>> -> memref<1x1568x32xf32, #tpu.memory_space<vmem>>
    %dma_wait3A_421 = tpu.memref_squeeze %dma_wait3A_420 : memref<1x1568x32xf32, #tpu.memory_space<vmem>> -> memref<1568x32xf32, #tpu.memory_space<vmem>>
    tpu.wait_dma2 semaphore(%arg10 : memref<!tpu.dma_semaphore, #tpu.memory_space<semaphore_mem>>) src(%dma_wait3A_421 : memref<1568x32xf32, #tpu.memory_space<vmem>>) dst(%dma_wait3A_417 : memref<1568x32xf32, #tpu.memory_space<hbm>>)
    %dma_start3A_422 = arith.constant 1 : i32
    %dma_start3A_423 = arith.constant 0 : i32
    %dma_start3A_424 = arith.constant 0 : i32
    %dma_start3A_425 = tpu.memref_slice %arg6[%dma_start3A_422, %dma_start3A_423, %dma_start3A_424] : memref<2x1568x32xf32, #tpu.memory_space<vmem>> -> memref<1x1568x32xf32, #tpu.memory_space<vmem>>
    %dma_start3A_426 = tpu.memref_squeeze %dma_start3A_425 : memref<1x1568x32xf32, #tpu.memory_space<vmem>> -> memref<1568x32xf32, #tpu.memory_space<vmem>>
    %dma_start3A_427 = arith.constant 14112 : i32
    %dma_start3A_428 = tpu.memref_slice %arg5[%dma_start3A_427] : memref<25088xi32, #tpu.memory_space<vmem>> -> memref<1568xi32, #tpu.memory_space<vmem>>
    %dma_start3A_429 = arith.constant 0 : i32
    %dma_start3A_430 = arith.constant 0 : i32
    %dma_start3A_431 = tpu.memref_slice %arg7[%dma_start3A_429, %dma_start3A_430] : memref<32x32xf32, #tpu.memory_space<vmem_shared>> -> memref<32x32xf32, #tpu.memory_space<vmem_shared>>
    tpu.enqueue_indirect_dma source(%dma_start3A_431 : memref<32x32xf32, #tpu.memory_space<vmem_shared>>) target(%dma_start3A_426 : memref<1568x32xf32, #tpu.memory_space<vmem>>) offsets(%dma_start3A_428 : memref<1568xi32, #tpu.memory_space<vmem>>) semaphore(%arg8 : memref<!tpu.dma_semaphore, #tpu.memory_space<semaphore_mem>>)
    %dma_wait3A_432 = arith.constant 1 : i32
    %dma_wait3A_433 = arith.constant 0 : i32
    %dma_wait3A_434 = arith.constant 0 : i32
    %dma_wait3A_435 = tpu.memref_slice %arg6[%dma_wait3A_432, %dma_wait3A_433, %dma_wait3A_434] : memref<2x1568x32xf32, #tpu.memory_space<vmem>> -> memref<1x1568x32xf32, #tpu.memory_space<vmem>>
    %dma_wait3A_436 = tpu.memref_squeeze %dma_wait3A_435 : memref<1x1568x32xf32, #tpu.memory_space<vmem>> -> memref<1568x32xf32, #tpu.memory_space<vmem>>
    %dma_wait3A_437 = arith.constant 14112 : i32
    %dma_wait3A_438 = tpu.memref_slice %arg5[%dma_wait3A_437] : memref<25088xi32, #tpu.memory_space<vmem>> -> memref<1568xi32, #tpu.memory_space<vmem>>
    %dma_wait3A_439 = arith.constant 0 : i32
    %dma_wait3A_440 = arith.constant 0 : i32
    %dma_wait3A_441 = tpu.memref_slice %arg7[%dma_wait3A_439, %dma_wait3A_440] : memref<32x32xf32, #tpu.memory_space<vmem_shared>> -> memref<32x32xf32, #tpu.memory_space<vmem_shared>>
    tpu.wait_indirect_dma semaphore(%arg8 : memref<!tpu.dma_semaphore, #tpu.memory_space<semaphore_mem>>) src(%dma_wait3A_441 : memref<32x32xf32, #tpu.memory_space<vmem_shared>>) dst(%dma_wait3A_436 : memref<1568x32xf32, #tpu.memory_space<vmem>>)
    %add3A_442 = arith.constant 14112 : i32
    %add3A_443 = arith.addi %mul3A_2, %add3A_442 : i32
    %dma_start3A_444 = arith.constant 1 : i32
    %dma_start3A_445 = arith.constant 0 : i32
    %dma_start3A_446 = arith.constant 0 : i32
    %dma_start3A_447 = tpu.memref_slice %arg6[%dma_start3A_444, %dma_start3A_445, %dma_start3A_446] : memref<2x1568x32xf32, #tpu.memory_space<vmem>> -> memref<1x1568x32xf32, #tpu.memory_space<vmem>>
    %dma_start3A_448 = tpu.memref_squeeze %dma_start3A_447 : memref<1x1568x32xf32, #tpu.memory_space<vmem>> -> memref<1568x32xf32, #tpu.memory_space<vmem>>
    %dma_start3A_449 = arith.constant 0 : i32
    %dma_start3A_450 = tpu.memref_slice %arg4[%add3A_443, %dma_start3A_449] : memref<802816x32xf32, #tpu.memory_space<hbm>> -> memref<1568x32xf32, #tpu.memory_space<hbm>>
    %dma_start3A_451 = arith.constant 0 : i32
    %dma_start3A_452 = tpu.memref_slice %arg4[%add3A_443, %dma_start3A_451] : memref<802816x32xf32, #tpu.memory_space<hbm>> -> memref<1568x32xf32, #tpu.memory_space<hbm>>
    %dma_start3A_453 = arith.constant 0 : i32
    %dma_start3A_454 = arith.constant 0 : i32
    %dma_start3A_455 = tpu.memref_slice %arg6[%dma_start3A_444, %dma_start3A_453, %dma_start3A_454] : memref<2x1568x32xf32, #tpu.memory_space<vmem>> -> memref<1x1568x32xf32, #tpu.memory_space<vmem>>
    %dma_start3A_456 = tpu.memref_squeeze %dma_start3A_455 : memref<1x1568x32xf32, #tpu.memory_space<vmem>> -> memref<1568x32xf32, #tpu.memory_space<vmem>>
    tpu.enqueue_dma source(%dma_start3A_456 : memref<1568x32xf32, #tpu.memory_space<vmem>>) target(%dma_start3A_452 : memref<1568x32xf32, #tpu.memory_space<hbm>>) target_semaphore(%arg10 : memref<!tpu.dma_semaphore, #tpu.memory_space<semaphore_mem>>)
    %dma_wait3A_457 = arith.constant 0 : i32
    %dma_wait3A_458 = arith.constant 0 : i32
    %dma_wait3A_459 = arith.constant 0 : i32
    %dma_wait3A_460 = tpu.memref_slice %arg6[%dma_wait3A_457, %dma_wait3A_458, %dma_wait3A_459] : memref<2x1568x32xf32, #tpu.memory_space<vmem>> -> memref<1x1568x32xf32, #tpu.memory_space<vmem>>
    %dma_wait3A_461 = tpu.memref_squeeze %dma_wait3A_460 : memref<1x1568x32xf32, #tpu.memory_space<vmem>> -> memref<1568x32xf32, #tpu.memory_space<vmem>>
    %dma_wait3A_462 = arith.constant 0 : i32
    %dma_wait3A_463 = tpu.memref_slice %arg4[%add3A_395, %dma_wait3A_462] : memref<802816x32xf32, #tpu.memory_space<hbm>> -> memref<1568x32xf32, #tpu.memory_space<hbm>>
    %dma_wait3A_464 = arith.constant 0 : i32
    %dma_wait3A_465 = tpu.memref_slice %arg4[%add3A_395, %dma_wait3A_464] : memref<802816x32xf32, #tpu.memory_space<hbm>> -> memref<1568x32xf32, #tpu.memory_space<hbm>>
    %dma_wait3A_466 = arith.constant 0 : i32
    %dma_wait3A_467 = arith.constant 0 : i32
    %dma_wait3A_468 = tpu.memref_slice %arg6[%dma_wait3A_457, %dma_wait3A_466, %dma_wait3A_467] : memref<2x1568x32xf32, #tpu.memory_space<vmem>> -> memref<1x1568x32xf32, #tpu.memory_space<vmem>>
    %dma_wait3A_469 = tpu.memref_squeeze %dma_wait3A_468 : memref<1x1568x32xf32, #tpu.memory_space<vmem>> -> memref<1568x32xf32, #tpu.memory_space<vmem>>
    tpu.wait_dma2 semaphore(%arg9 : memref<!tpu.dma_semaphore, #tpu.memory_space<semaphore_mem>>) src(%dma_wait3A_469 : memref<1568x32xf32, #tpu.memory_space<vmem>>) dst(%dma_wait3A_465 : memref<1568x32xf32, #tpu.memory_space<hbm>>)
    %dma_start3A_470 = arith.constant 0 : i32
    %dma_start3A_471 = arith.constant 0 : i32
    %dma_start3A_472 = arith.constant 0 : i32
    %dma_start3A_473 = tpu.memref_slice %arg6[%dma_start3A_470, %dma_start3A_471, %dma_start3A_472] : memref<2x1568x32xf32, #tpu.memory_space<vmem>> -> memref<1x1568x32xf32, #tpu.memory_space<vmem>>
    %dma_start3A_474 = tpu.memref_squeeze %dma_start3A_473 : memref<1x1568x32xf32, #tpu.memory_space<vmem>> -> memref<1568x32xf32, #tpu.memory_space<vmem>>
    %dma_start3A_475 = arith.constant 15680 : i32
    %dma_start3A_476 = tpu.memref_slice %arg5[%dma_start3A_475] : memref<25088xi32, #tpu.memory_space<vmem>> -> memref<1568xi32, #tpu.memory_space<vmem>>
    %dma_start3A_477 = arith.constant 0 : i32
    %dma_start3A_478 = arith.constant 0 : i32
    %dma_start3A_479 = tpu.memref_slice %arg7[%dma_start3A_477, %dma_start3A_478] : memref<32x32xf32, #tpu.memory_space<vmem_shared>> -> memref<32x32xf32, #tpu.memory_space<vmem_shared>>
    tpu.enqueue_indirect_dma source(%dma_start3A_479 : memref<32x32xf32, #tpu.memory_space<vmem_shared>>) target(%dma_start3A_474 : memref<1568x32xf32, #tpu.memory_space<vmem>>) offsets(%dma_start3A_476 : memref<1568xi32, #tpu.memory_space<vmem>>) semaphore(%arg8 : memref<!tpu.dma_semaphore, #tpu.memory_space<semaphore_mem>>)
    %dma_wait3A_480 = arith.constant 0 : i32
    %dma_wait3A_481 = arith.constant 0 : i32
    %dma_wait3A_482 = arith.constant 0 : i32
    %dma_wait3A_483 = tpu.memref_slice %arg6[%dma_wait3A_480, %dma_wait3A_481, %dma_wait3A_482] : memref<2x1568x32xf32, #tpu.memory_space<vmem>> -> memref<1x1568x32xf32, #tpu.memory_space<vmem>>
    %dma_wait3A_484 = tpu.memref_squeeze %dma_wait3A_483 : memref<1x1568x32xf32, #tpu.memory_space<vmem>> -> memref<1568x32xf32, #tpu.memory_space<vmem>>
    %dma_wait3A_485 = arith.constant 15680 : i32
    %dma_wait3A_486 = tpu.memref_slice %arg5[%dma_wait3A_485] : memref<25088xi32, #tpu.memory_space<vmem>> -> memref<1568xi32, #tpu.memory_space<vmem>>
    %dma_wait3A_487 = arith.constant 0 : i32
    %dma_wait3A_488 = arith.constant 0 : i32
    %dma_wait3A_489 = tpu.memref_slice %arg7[%dma_wait3A_487, %dma_wait3A_488] : memref<32x32xf32, #tpu.memory_space<vmem_shared>> -> memref<32x32xf32, #tpu.memory_space<vmem_shared>>
    tpu.wait_indirect_dma semaphore(%arg8 : memref<!tpu.dma_semaphore, #tpu.memory_space<semaphore_mem>>) src(%dma_wait3A_489 : memref<32x32xf32, #tpu.memory_space<vmem_shared>>) dst(%dma_wait3A_484 : memref<1568x32xf32, #tpu.memory_space<vmem>>)
    %add3A_490 = arith.constant 15680 : i32
    %add3A_491 = arith.addi %mul3A_2, %add3A_490 : i32
    %dma_start3A_492 = arith.constant 0 : i32
    %dma_start3A_493 = arith.constant 0 : i32
    %dma_start3A_494 = arith.constant 0 : i32
    %dma_start3A_495 = tpu.memref_slice %arg6[%dma_start3A_492, %dma_start3A_493, %dma_start3A_494] : memref<2x1568x32xf32, #tpu.memory_space<vmem>> -> memref<1x1568x32xf32, #tpu.memory_space<vmem>>
    %dma_start3A_496 = tpu.memref_squeeze %dma_start3A_495 : memref<1x1568x32xf32, #tpu.memory_space<vmem>> -> memref<1568x32xf32, #tpu.memory_space<vmem>>
    %dma_start3A_497 = arith.constant 0 : i32
    %dma_start3A_498 = tpu.memref_slice %arg4[%add3A_491, %dma_start3A_497] : memref<802816x32xf32, #tpu.memory_space<hbm>> -> memref<1568x32xf32, #tpu.memory_space<hbm>>
    %dma_start3A_499 = arith.constant 0 : i32
    %dma_start3A_500 = tpu.memref_slice %arg4[%add3A_491, %dma_start3A_499] : memref<802816x32xf32, #tpu.memory_space<hbm>> -> memref<1568x32xf32, #tpu.memory_space<hbm>>
    %dma_start3A_501 = arith.constant 0 : i32
    %dma_start3A_502 = arith.constant 0 : i32
    %dma_start3A_503 = tpu.memref_slice %arg6[%dma_start3A_492, %dma_start3A_501, %dma_start3A_502] : memref<2x1568x32xf32, #tpu.memory_space<vmem>> -> memref<1x1568x32xf32, #tpu.memory_space<vmem>>
    %dma_start3A_504 = tpu.memref_squeeze %dma_start3A_503 : memref<1x1568x32xf32, #tpu.memory_space<vmem>> -> memref<1568x32xf32, #tpu.memory_space<vmem>>
    tpu.enqueue_dma source(%dma_start3A_504 : memref<1568x32xf32, #tpu.memory_space<vmem>>) target(%dma_start3A_500 : memref<1568x32xf32, #tpu.memory_space<hbm>>) target_semaphore(%arg9 : memref<!tpu.dma_semaphore, #tpu.memory_space<semaphore_mem>>)
    %dma_wait3A_505 = arith.constant 1 : i32
    %dma_wait3A_506 = arith.constant 0 : i32
    %dma_wait3A_507 = arith.constant 0 : i32
    %dma_wait3A_508 = tpu.memref_slice %arg6[%dma_wait3A_505, %dma_wait3A_506, %dma_wait3A_507] : memref<2x1568x32xf32, #tpu.memory_space<vmem>> -> memref<1x1568x32xf32, #tpu.memory_space<vmem>>
    %dma_wait3A_509 = tpu.memref_squeeze %dma_wait3A_508 : memref<1x1568x32xf32, #tpu.memory_space<vmem>> -> memref<1568x32xf32, #tpu.memory_space<vmem>>
    %dma_wait3A_510 = arith.constant 0 : i32
    %dma_wait3A_511 = tpu.memref_slice %arg4[%add3A_443, %dma_wait3A_510] : memref<802816x32xf32, #tpu.memory_space<hbm>> -> memref<1568x32xf32, #tpu.memory_space<hbm>>
    %dma_wait3A_512 = arith.constant 0 : i32
    %dma_wait3A_513 = tpu.memref_slice %arg4[%add3A_443, %dma_wait3A_512] : memref<802816x32xf32, #tpu.memory_space<hbm>> -> memref<1568x32xf32, #tpu.memory_space<hbm>>
    %dma_wait3A_514 = arith.constant 0 : i32
    %dma_wait3A_515 = arith.constant 0 : i32
    %dma_wait3A_516 = tpu.memref_slice %arg6[%dma_wait3A_505, %dma_wait3A_514, %dma_wait3A_515] : memref<2x1568x32xf32, #tpu.memory_space<vmem>> -> memref<1x1568x32xf32, #tpu.memory_space<vmem>>
    %dma_wait3A_517 = tpu.memref_squeeze %dma_wait3A_516 : memref<1x1568x32xf32, #tpu.memory_space<vmem>> -> memref<1568x32xf32, #tpu.memory_space<vmem>>
    tpu.wait_dma2 semaphore(%arg10 : memref<!tpu.dma_semaphore, #tpu.memory_space<semaphore_mem>>) src(%dma_wait3A_517 : memref<1568x32xf32, #tpu.memory_space<vmem>>) dst(%dma_wait3A_513 : memref<1568x32xf32, #tpu.memory_space<hbm>>)
    %dma_start3A_518 = arith.constant 1 : i32
    %dma_start3A_519 = arith.constant 0 : i32
    %dma_start3A_520 = arith.constant 0 : i32
    %dma_start3A_521 = tpu.memref_slice %arg6[%dma_start3A_518, %dma_start3A_519, %dma_start3A_520] : memref<2x1568x32xf32, #tpu.memory_space<vmem>> -> memref<1x1568x32xf32, #tpu.memory_space<vmem>>
    %dma_start3A_522 = tpu.memref_squeeze %dma_start3A_521 : memref<1x1568x32xf32, #tpu.memory_space<vmem>> -> memref<1568x32xf32, #tpu.memory_space<vmem>>
    %dma_start3A_523 = arith.constant 17248 : i32
    %dma_start3A_524 = tpu.memref_slice %arg5[%dma_start3A_523] : memref<25088xi32, #tpu.memory_space<vmem>> -> memref<1568xi32, #tpu.memory_space<vmem>>
    %dma_start3A_525 = arith.constant 0 : i32
    %dma_start3A_526 = arith.constant 0 : i32
    %dma_start3A_527 = tpu.memref_slice %arg7[%dma_start3A_525, %dma_start3A_526] : memref<32x32xf32, #tpu.memory_space<vmem_shared>> -> memref<32x32xf32, #tpu.memory_space<vmem_shared>>
    tpu.enqueue_indirect_dma source(%dma_start3A_527 : memref<32x32xf32, #tpu.memory_space<vmem_shared>>) target(%dma_start3A_522 : memref<1568x32xf32, #tpu.memory_space<vmem>>) offsets(%dma_start3A_524 : memref<1568xi32, #tpu.memory_space<vmem>>) semaphore(%arg8 : memref<!tpu.dma_semaphore, #tpu.memory_space<semaphore_mem>>)
    %dma_wait3A_528 = arith.constant 1 : i32
    %dma_wait3A_529 = arith.constant 0 : i32
    %dma_wait3A_530 = arith.constant 0 : i32
    %dma_wait3A_531 = tpu.memref_slice %arg6[%dma_wait3A_528, %dma_wait3A_529, %dma_wait3A_530] : memref<2x1568x32xf32, #tpu.memory_space<vmem>> -> memref<1x1568x32xf32, #tpu.memory_space<vmem>>
    %dma_wait3A_532 = tpu.memref_squeeze %dma_wait3A_531 : memref<1x1568x32xf32, #tpu.memory_space<vmem>> -> memref<1568x32xf32, #tpu.memory_space<vmem>>
    %dma_wait3A_533 = arith.constant 17248 : i32
    %dma_wait3A_534 = tpu.memref_slice %arg5[%dma_wait3A_533] : memref<25088xi32, #tpu.memory_space<vmem>> -> memref<1568xi32, #tpu.memory_space<vmem>>
    %dma_wait3A_535 = arith.constant 0 : i32
    %dma_wait3A_536 = arith.constant 0 : i32
    %dma_wait3A_537 = tpu.memref_slice %arg7[%dma_wait3A_535, %dma_wait3A_536] : memref<32x32xf32, #tpu.memory_space<vmem_shared>> -> memref<32x32xf32, #tpu.memory_space<vmem_shared>>
    tpu.wait_indirect_dma semaphore(%arg8 : memref<!tpu.dma_semaphore, #tpu.memory_space<semaphore_mem>>) src(%dma_wait3A_537 : memref<32x32xf32, #tpu.memory_space<vmem_shared>>) dst(%dma_wait3A_532 : memref<1568x32xf32, #tpu.memory_space<vmem>>)
    %add3A_538 = arith.constant 17248 : i32
    %add3A_539 = arith.addi %mul3A_2, %add3A_538 : i32
    %dma_start3A_540 = arith.constant 1 : i32
    %dma_start3A_541 = arith.constant 0 : i32
    %dma_start3A_542 = arith.constant 0 : i32
    %dma_start3A_543 = tpu.memref_slice %arg6[%dma_start3A_540, %dma_start3A_541, %dma_start3A_542] : memref<2x1568x32xf32, #tpu.memory_space<vmem>> -> memref<1x1568x32xf32, #tpu.memory_space<vmem>>
    %dma_start3A_544 = tpu.memref_squeeze %dma_start3A_543 : memref<1x1568x32xf32, #tpu.memory_space<vmem>> -> memref<1568x32xf32, #tpu.memory_space<vmem>>
    %dma_start3A_545 = arith.constant 0 : i32
    %dma_start3A_546 = tpu.memref_slice %arg4[%add3A_539, %dma_start3A_545] : memref<802816x32xf32, #tpu.memory_space<hbm>> -> memref<1568x32xf32, #tpu.memory_space<hbm>>
    %dma_start3A_547 = arith.constant 0 : i32
    %dma_start3A_548 = tpu.memref_slice %arg4[%add3A_539, %dma_start3A_547] : memref<802816x32xf32, #tpu.memory_space<hbm>> -> memref<1568x32xf32, #tpu.memory_space<hbm>>
    %dma_start3A_549 = arith.constant 0 : i32
    %dma_start3A_550 = arith.constant 0 : i32
    %dma_start3A_551 = tpu.memref_slice %arg6[%dma_start3A_540, %dma_start3A_549, %dma_start3A_550] : memref<2x1568x32xf32, #tpu.memory_space<vmem>> -> memref<1x1568x32xf32, #tpu.memory_space<vmem>>
    %dma_start3A_552 = tpu.memref_squeeze %dma_start3A_551 : memref<1x1568x32xf32, #tpu.memory_space<vmem>> -> memref<1568x32xf32, #tpu.memory_space<vmem>>
    tpu.enqueue_dma source(%dma_start3A_552 : memref<1568x32xf32, #tpu.memory_space<vmem>>) target(%dma_start3A_548 : memref<1568x32xf32, #tpu.memory_space<hbm>>) target_semaphore(%arg10 : memref<!tpu.dma_semaphore, #tpu.memory_space<semaphore_mem>>)
    %dma_wait3A_553 = arith.constant 0 : i32
    %dma_wait3A_554 = arith.constant 0 : i32
    %dma_wait3A_555 = arith.constant 0 : i32
    %dma_wait3A_556 = tpu.memref_slice %arg6[%dma_wait3A_553, %dma_wait3A_554, %dma_wait3A_555] : memref<2x1568x32xf32, #tpu.memory_space<vmem>> -> memref<1x1568x32xf32, #tpu.memory_space<vmem>>
    %dma_wait3A_557 = tpu.memref_squeeze %dma_wait3A_556 : memref<1x1568x32xf32, #tpu.memory_space<vmem>> -> memref<1568x32xf32, #tpu.memory_space<vmem>>
    %dma_wait3A_558 = arith.constant 0 : i32
    %dma_wait3A_559 = tpu.memref_slice %arg4[%add3A_491, %dma_wait3A_558] : memref<802816x32xf32, #tpu.memory_space<hbm>> -> memref<1568x32xf32, #tpu.memory_space<hbm>>
    %dma_wait3A_560 = arith.constant 0 : i32
    %dma_wait3A_561 = tpu.memref_slice %arg4[%add3A_491, %dma_wait3A_560] : memref<802816x32xf32, #tpu.memory_space<hbm>> -> memref<1568x32xf32, #tpu.memory_space<hbm>>
    %dma_wait3A_562 = arith.constant 0 : i32
    %dma_wait3A_563 = arith.constant 0 : i32
    %dma_wait3A_564 = tpu.memref_slice %arg6[%dma_wait3A_553, %dma_wait3A_562, %dma_wait3A_563] : memref<2x1568x32xf32, #tpu.memory_space<vmem>> -> memref<1x1568x32xf32, #tpu.memory_space<vmem>>
    %dma_wait3A_565 = tpu.memref_squeeze %dma_wait3A_564 : memref<1x1568x32xf32, #tpu.memory_space<vmem>> -> memref<1568x32xf32, #tpu.memory_space<vmem>>
    tpu.wait_dma2 semaphore(%arg9 : memref<!tpu.dma_semaphore, #tpu.memory_space<semaphore_mem>>) src(%dma_wait3A_565 : memref<1568x32xf32, #tpu.memory_space<vmem>>) dst(%dma_wait3A_561 : memref<1568x32xf32, #tpu.memory_space<hbm>>)
    %dma_start3A_566 = arith.constant 0 : i32
    %dma_start3A_567 = arith.constant 0 : i32
    %dma_start3A_568 = arith.constant 0 : i32
    %dma_start3A_569 = tpu.memref_slice %arg6[%dma_start3A_566, %dma_start3A_567, %dma_start3A_568] : memref<2x1568x32xf32, #tpu.memory_space<vmem>> -> memref<1x1568x32xf32, #tpu.memory_space<vmem>>
    %dma_start3A_570 = tpu.memref_squeeze %dma_start3A_569 : memref<1x1568x32xf32, #tpu.memory_space<vmem>> -> memref<1568x32xf32, #tpu.memory_space<vmem>>
    %dma_start3A_571 = arith.constant 18816 : i32
    %dma_start3A_572 = tpu.memref_slice %arg5[%dma_start3A_571] : memref<25088xi32, #tpu.memory_space<vmem>> -> memref<1568xi32, #tpu.memory_space<vmem>>
    %dma_start3A_573 = arith.constant 0 : i32
    %dma_start3A_574 = arith.constant 0 : i32
    %dma_start3A_575 = tpu.memref_slice %arg7[%dma_start3A_573, %dma_start3A_574] : memref<32x32xf32, #tpu.memory_space<vmem_shared>> -> memref<32x32xf32, #tpu.memory_space<vmem_shared>>
    tpu.enqueue_indirect_dma source(%dma_start3A_575 : memref<32x32xf32, #tpu.memory_space<vmem_shared>>) target(%dma_start3A_570 : memref<1568x32xf32, #tpu.memory_space<vmem>>) offsets(%dma_start3A_572 : memref<1568xi32, #tpu.memory_space<vmem>>) semaphore(%arg8 : memref<!tpu.dma_semaphore, #tpu.memory_space<semaphore_mem>>)
    %dma_wait3A_576 = arith.constant 0 : i32
    %dma_wait3A_577 = arith.constant 0 : i32
    %dma_wait3A_578 = arith.constant 0 : i32
    %dma_wait3A_579 = tpu.memref_slice %arg6[%dma_wait3A_576, %dma_wait3A_577, %dma_wait3A_578] : memref<2x1568x32xf32, #tpu.memory_space<vmem>> -> memref<1x1568x32xf32, #tpu.memory_space<vmem>>
    %dma_wait3A_580 = tpu.memref_squeeze %dma_wait3A_579 : memref<1x1568x32xf32, #tpu.memory_space<vmem>> -> memref<1568x32xf32, #tpu.memory_space<vmem>>
    %dma_wait3A_581 = arith.constant 18816 : i32
    %dma_wait3A_582 = tpu.memref_slice %arg5[%dma_wait3A_581] : memref<25088xi32, #tpu.memory_space<vmem>> -> memref<1568xi32, #tpu.memory_space<vmem>>
    %dma_wait3A_583 = arith.constant 0 : i32
    %dma_wait3A_584 = arith.constant 0 : i32
    %dma_wait3A_585 = tpu.memref_slice %arg7[%dma_wait3A_583, %dma_wait3A_584] : memref<32x32xf32, #tpu.memory_space<vmem_shared>> -> memref<32x32xf32, #tpu.memory_space<vmem_shared>>
    tpu.wait_indirect_dma semaphore(%arg8 : memref<!tpu.dma_semaphore, #tpu.memory_space<semaphore_mem>>) src(%dma_wait3A_585 : memref<32x32xf32, #tpu.memory_space<vmem_shared>>) dst(%dma_wait3A_580 : memref<1568x32xf32, #tpu.memory_space<vmem>>)
    %add3A_586 = arith.constant 18816 : i32
    %add3A_587 = arith.addi %mul3A_2, %add3A_586 : i32
    %dma_start3A_588 = arith.constant 0 : i32
    %dma_start3A_589 = arith.constant 0 : i32
    %dma_start3A_590 = arith.constant 0 : i32
    %dma_start3A_591 = tpu.memref_slice %arg6[%dma_start3A_588, %dma_start3A_589, %dma_start3A_590] : memref<2x1568x32xf32, #tpu.memory_space<vmem>> -> memref<1x1568x32xf32, #tpu.memory_space<vmem>>
    %dma_start3A_592 = tpu.memref_squeeze %dma_start3A_591 : memref<1x1568x32xf32, #tpu.memory_space<vmem>> -> memref<1568x32xf32, #tpu.memory_space<vmem>>
    %dma_start3A_593 = arith.constant 0 : i32
    %dma_start3A_594 = tpu.memref_slice %arg4[%add3A_587, %dma_start3A_593] : memref<802816x32xf32, #tpu.memory_space<hbm>> -> memref<1568x32xf32, #tpu.memory_space<hbm>>
    %dma_start3A_595 = arith.constant 0 : i32
    %dma_start3A_596 = tpu.memref_slice %arg4[%add3A_587, %dma_start3A_595] : memref<802816x32xf32, #tpu.memory_space<hbm>> -> memref<1568x32xf32, #tpu.memory_space<hbm>>
    %dma_start3A_597 = arith.constant 0 : i32
    %dma_start3A_598 = arith.constant 0 : i32
    %dma_start3A_599 = tpu.memref_slice %arg6[%dma_start3A_588, %dma_start3A_597, %dma_start3A_598] : memref<2x1568x32xf32, #tpu.memory_space<vmem>> -> memref<1x1568x32xf32, #tpu.memory_space<vmem>>
    %dma_start3A_600 = tpu.memref_squeeze %dma_start3A_599 : memref<1x1568x32xf32, #tpu.memory_space<vmem>> -> memref<1568x32xf32, #tpu.memory_space<vmem>>
    tpu.enqueue_dma source(%dma_start3A_600 : memref<1568x32xf32, #tpu.memory_space<vmem>>) target(%dma_start3A_596 : memref<1568x32xf32, #tpu.memory_space<hbm>>) target_semaphore(%arg9 : memref<!tpu.dma_semaphore, #tpu.memory_space<semaphore_mem>>)
    %dma_wait3A_601 = arith.constant 1 : i32
    %dma_wait3A_602 = arith.constant 0 : i32
    %dma_wait3A_603 = arith.constant 0 : i32
    %dma_wait3A_604 = tpu.memref_slice %arg6[%dma_wait3A_601, %dma_wait3A_602, %dma_wait3A_603] : memref<2x1568x32xf32, #tpu.memory_space<vmem>> -> memref<1x1568x32xf32, #tpu.memory_space<vmem>>
    %dma_wait3A_605 = tpu.memref_squeeze %dma_wait3A_604 : memref<1x1568x32xf32, #tpu.memory_space<vmem>> -> memref<1568x32xf32, #tpu.memory_space<vmem>>
    %dma_wait3A_606 = arith.constant 0 : i32
    %dma_wait3A_607 = tpu.memref_slice %arg4[%add3A_539, %dma_wait3A_606] : memref<802816x32xf32, #tpu.memory_space<hbm>> -> memref<1568x32xf32, #tpu.memory_space<hbm>>
    %dma_wait3A_608 = arith.constant 0 : i32
    %dma_wait3A_609 = tpu.memref_slice %arg4[%add3A_539, %dma_wait3A_608] : memref<802816x32xf32, #tpu.memory_space<hbm>> -> memref<1568x32xf32, #tpu.memory_space<hbm>>
    %dma_wait3A_610 = arith.constant 0 : i32
    %dma_wait3A_611 = arith.constant 0 : i32
    %dma_wait3A_612 = tpu.memref_slice %arg6[%dma_wait3A_601, %dma_wait3A_610, %dma_wait3A_611] : memref<2x1568x32xf32, #tpu.memory_space<vmem>> -> memref<1x1568x32xf32, #tpu.memory_space<vmem>>
    %dma_wait3A_613 = tpu.memref_squeeze %dma_wait3A_612 : memref<1x1568x32xf32, #tpu.memory_space<vmem>> -> memref<1568x32xf32, #tpu.memory_space<vmem>>
    tpu.wait_dma2 semaphore(%arg10 : memref<!tpu.dma_semaphore, #tpu.memory_space<semaphore_mem>>) src(%dma_wait3A_613 : memref<1568x32xf32, #tpu.memory_space<vmem>>) dst(%dma_wait3A_609 : memref<1568x32xf32, #tpu.memory_space<hbm>>)
    %dma_start3A_614 = arith.constant 1 : i32
    %dma_start3A_615 = arith.constant 0 : i32
    %dma_start3A_616 = arith.constant 0 : i32
    %dma_start3A_617 = tpu.memref_slice %arg6[%dma_start3A_614, %dma_start3A_615, %dma_start3A_616] : memref<2x1568x32xf32, #tpu.memory_space<vmem>> -> memref<1x1568x32xf32, #tpu.memory_space<vmem>>
    %dma_start3A_618 = tpu.memref_squeeze %dma_start3A_617 : memref<1x1568x32xf32, #tpu.memory_space<vmem>> -> memref<1568x32xf32, #tpu.memory_space<vmem>>
    %dma_start3A_619 = arith.constant 20384 : i32
    %dma_start3A_620 = tpu.memref_slice %arg5[%dma_start3A_619] : memref<25088xi32, #tpu.memory_space<vmem>> -> memref<1568xi32, #tpu.memory_space<vmem>>
    %dma_start3A_621 = arith.constant 0 : i32
    %dma_start3A_622 = arith.constant 0 : i32
    %dma_start3A_623 = tpu.memref_slice %arg7[%dma_start3A_621, %dma_start3A_622] : memref<32x32xf32, #tpu.memory_space<vmem_shared>> -> memref<32x32xf32, #tpu.memory_space<vmem_shared>>
    tpu.enqueue_indirect_dma source(%dma_start3A_623 : memref<32x32xf32, #tpu.memory_space<vmem_shared>>) target(%dma_start3A_618 : memref<1568x32xf32, #tpu.memory_space<vmem>>) offsets(%dma_start3A_620 : memref<1568xi32, #tpu.memory_space<vmem>>) semaphore(%arg8 : memref<!tpu.dma_semaphore, #tpu.memory_space<semaphore_mem>>)
    %dma_wait3A_624 = arith.constant 1 : i32
    %dma_wait3A_625 = arith.constant 0 : i32
    %dma_wait3A_626 = arith.constant 0 : i32
    %dma_wait3A_627 = tpu.memref_slice %arg6[%dma_wait3A_624, %dma_wait3A_625, %dma_wait3A_626] : memref<2x1568x32xf32, #tpu.memory_space<vmem>> -> memref<1x1568x32xf32, #tpu.memory_space<vmem>>
    %dma_wait3A_628 = tpu.memref_squeeze %dma_wait3A_627 : memref<1x1568x32xf32, #tpu.memory_space<vmem>> -> memref<1568x32xf32, #tpu.memory_space<vmem>>
    %dma_wait3A_629 = arith.constant 20384 : i32
    %dma_wait3A_630 = tpu.memref_slice %arg5[%dma_wait3A_629] : memref<25088xi32, #tpu.memory_space<vmem>> -> memref<1568xi32, #tpu.memory_space<vmem>>
    %dma_wait3A_631 = arith.constant 0 : i32
    %dma_wait3A_632 = arith.constant 0 : i32
    %dma_wait3A_633 = tpu.memref_slice %arg7[%dma_wait3A_631, %dma_wait3A_632] : memref<32x32xf32, #tpu.memory_space<vmem_shared>> -> memref<32x32xf32, #tpu.memory_space<vmem_shared>>
    tpu.wait_indirect_dma semaphore(%arg8 : memref<!tpu.dma_semaphore, #tpu.memory_space<semaphore_mem>>) src(%dma_wait3A_633 : memref<32x32xf32, #tpu.memory_space<vmem_shared>>) dst(%dma_wait3A_628 : memref<1568x32xf32, #tpu.memory_space<vmem>>)
    %add3A_634 = arith.constant 20384 : i32
    %add3A_635 = arith.addi %mul3A_2, %add3A_634 : i32
    %dma_start3A_636 = arith.constant 1 : i32
    %dma_start3A_637 = arith.constant 0 : i32
    %dma_start3A_638 = arith.constant 0 : i32
    %dma_start3A_639 = tpu.memref_slice %arg6[%dma_start3A_636, %dma_start3A_637, %dma_start3A_638] : memref<2x1568x32xf32, #tpu.memory_space<vmem>> -> memref<1x1568x32xf32, #tpu.memory_space<vmem>>
    %dma_start3A_640 = tpu.memref_squeeze %dma_start3A_639 : memref<1x1568x32xf32, #tpu.memory_space<vmem>> -> memref<1568x32xf32, #tpu.memory_space<vmem>>
    %dma_start3A_641 = arith.constant 0 : i32
    %dma_start3A_642 = tpu.memref_slice %arg4[%add3A_635, %dma_start3A_641] : memref<802816x32xf32, #tpu.memory_space<hbm>> -> memref<1568x32xf32, #tpu.memory_space<hbm>>
    %dma_start3A_643 = arith.constant 0 : i32
    %dma_start3A_644 = tpu.memref_slice %arg4[%add3A_635, %dma_start3A_643] : memref<802816x32xf32, #tpu.memory_space<hbm>> -> memref<1568x32xf32, #tpu.memory_space<hbm>>
    %dma_start3A_645 = arith.constant 0 : i32
    %dma_start3A_646 = arith.constant 0 : i32
    %dma_start3A_647 = tpu.memref_slice %arg6[%dma_start3A_636, %dma_start3A_645, %dma_start3A_646] : memref<2x1568x32xf32, #tpu.memory_space<vmem>> -> memref<1x1568x32xf32, #tpu.memory_space<vmem>>
    %dma_start3A_648 = tpu.memref_squeeze %dma_start3A_647 : memref<1x1568x32xf32, #tpu.memory_space<vmem>> -> memref<1568x32xf32, #tpu.memory_space<vmem>>
    tpu.enqueue_dma source(%dma_start3A_648 : memref<1568x32xf32, #tpu.memory_space<vmem>>) target(%dma_start3A_644 : memref<1568x32xf32, #tpu.memory_space<hbm>>) target_semaphore(%arg10 : memref<!tpu.dma_semaphore, #tpu.memory_space<semaphore_mem>>)
    %dma_wait3A_649 = arith.constant 0 : i32
    %dma_wait3A_650 = arith.constant 0 : i32
    %dma_wait3A_651 = arith.constant 0 : i32
    %dma_wait3A_652 = tpu.memref_slice %arg6[%dma_wait3A_649, %dma_wait3A_650, %dma_wait3A_651] : memref<2x1568x32xf32, #tpu.memory_space<vmem>> -> memref<1x1568x32xf32, #tpu.memory_space<vmem>>
    %dma_wait3A_653 = tpu.memref_squeeze %dma_wait3A_652 : memref<1x1568x32xf32, #tpu.memory_space<vmem>> -> memref<1568x32xf32, #tpu.memory_space<vmem>>
    %dma_wait3A_654 = arith.constant 0 : i32
    %dma_wait3A_655 = tpu.memref_slice %arg4[%add3A_587, %dma_wait3A_654] : memref<802816x32xf32, #tpu.memory_space<hbm>> -> memref<1568x32xf32, #tpu.memory_space<hbm>>
    %dma_wait3A_656 = arith.constant 0 : i32
    %dma_wait3A_657 = tpu.memref_slice %arg4[%add3A_587, %dma_wait3A_656] : memref<802816x32xf32, #tpu.memory_space<hbm>> -> memref<1568x32xf32, #tpu.memory_space<hbm>>
    %dma_wait3A_658 = arith.constant 0 : i32
    %dma_wait3A_659 = arith.constant 0 : i32
    %dma_wait3A_660 = tpu.memref_slice %arg6[%dma_wait3A_649, %dma_wait3A_658, %dma_wait3A_659] : memref<2x1568x32xf32, #tpu.memory_space<vmem>> -> memref<1x1568x32xf32, #tpu.memory_space<vmem>>
    %dma_wait3A_661 = tpu.memref_squeeze %dma_wait3A_660 : memref<1x1568x32xf32, #tpu.memory_space<vmem>> -> memref<1568x32xf32, #tpu.memory_space<vmem>>
    tpu.wait_dma2 semaphore(%arg9 : memref<!tpu.dma_semaphore, #tpu.memory_space<semaphore_mem>>) src(%dma_wait3A_661 : memref<1568x32xf32, #tpu.memory_space<vmem>>) dst(%dma_wait3A_657 : memref<1568x32xf32, #tpu.memory_space<hbm>>)
    %dma_start3A_662 = arith.constant 0 : i32
    %dma_start3A_663 = arith.constant 0 : i32
    %dma_start3A_664 = arith.constant 0 : i32
    %dma_start3A_665 = tpu.memref_slice %arg6[%dma_start3A_662, %dma_start3A_663, %dma_start3A_664] : memref<2x1568x32xf32, #tpu.memory_space<vmem>> -> memref<1x1568x32xf32, #tpu.memory_space<vmem>>
    %dma_start3A_666 = tpu.memref_squeeze %dma_start3A_665 : memref<1x1568x32xf32, #tpu.memory_space<vmem>> -> memref<1568x32xf32, #tpu.memory_space<vmem>>
    %dma_start3A_667 = arith.constant 21952 : i32
    %dma_start3A_668 = tpu.memref_slice %arg5[%dma_start3A_667] : memref<25088xi32, #tpu.memory_space<vmem>> -> memref<1568xi32, #tpu.memory_space<vmem>>
    %dma_start3A_669 = arith.constant 0 : i32
    %dma_start3A_670 = arith.constant 0 : i32
    %dma_start3A_671 = tpu.memref_slice %arg7[%dma_start3A_669, %dma_start3A_670] : memref<32x32xf32, #tpu.memory_space<vmem_shared>> -> memref<32x32xf32, #tpu.memory_space<vmem_shared>>
    tpu.enqueue_indirect_dma source(%dma_start3A_671 : memref<32x32xf32, #tpu.memory_space<vmem_shared>>) target(%dma_start3A_666 : memref<1568x32xf32, #tpu.memory_space<vmem>>) offsets(%dma_start3A_668 : memref<1568xi32, #tpu.memory_space<vmem>>) semaphore(%arg8 : memref<!tpu.dma_semaphore, #tpu.memory_space<semaphore_mem>>)
    %dma_wait3A_672 = arith.constant 0 : i32
    %dma_wait3A_673 = arith.constant 0 : i32
    %dma_wait3A_674 = arith.constant 0 : i32
    %dma_wait3A_675 = tpu.memref_slice %arg6[%dma_wait3A_672, %dma_wait3A_673, %dma_wait3A_674] : memref<2x1568x32xf32, #tpu.memory_space<vmem>> -> memref<1x1568x32xf32, #tpu.memory_space<vmem>>
    %dma_wait3A_676 = tpu.memref_squeeze %dma_wait3A_675 : memref<1x1568x32xf32, #tpu.memory_space<vmem>> -> memref<1568x32xf32, #tpu.memory_space<vmem>>
    %dma_wait3A_677 = arith.constant 21952 : i32
    %dma_wait3A_678 = tpu.memref_slice %arg5[%dma_wait3A_677] : memref<25088xi32, #tpu.memory_space<vmem>> -> memref<1568xi32, #tpu.memory_space<vmem>>
    %dma_wait3A_679 = arith.constant 0 : i32
    %dma_wait3A_680 = arith.constant 0 : i32
    %dma_wait3A_681 = tpu.memref_slice %arg7[%dma_wait3A_679, %dma_wait3A_680] : memref<32x32xf32, #tpu.memory_space<vmem_shared>> -> memref<32x32xf32, #tpu.memory_space<vmem_shared>>
    tpu.wait_indirect_dma semaphore(%arg8 : memref<!tpu.dma_semaphore, #tpu.memory_space<semaphore_mem>>) src(%dma_wait3A_681 : memref<32x32xf32, #tpu.memory_space<vmem_shared>>) dst(%dma_wait3A_676 : memref<1568x32xf32, #tpu.memory_space<vmem>>)
    %add3A_682 = arith.constant 21952 : i32
    %add3A_683 = arith.addi %mul3A_2, %add3A_682 : i32
    %dma_start3A_684 = arith.constant 0 : i32
    %dma_start3A_685 = arith.constant 0 : i32
    %dma_start3A_686 = arith.constant 0 : i32
    %dma_start3A_687 = tpu.memref_slice %arg6[%dma_start3A_684, %dma_start3A_685, %dma_start3A_686] : memref<2x1568x32xf32, #tpu.memory_space<vmem>> -> memref<1x1568x32xf32, #tpu.memory_space<vmem>>
    %dma_start3A_688 = tpu.memref_squeeze %dma_start3A_687 : memref<1x1568x32xf32, #tpu.memory_space<vmem>> -> memref<1568x32xf32, #tpu.memory_space<vmem>>
    %dma_start3A_689 = arith.constant 0 : i32
    %dma_start3A_690 = tpu.memref_slice %arg4[%add3A_683, %dma_start3A_689] : memref<802816x32xf32, #tpu.memory_space<hbm>> -> memref<1568x32xf32, #tpu.memory_space<hbm>>
    %dma_start3A_691 = arith.constant 0 : i32
    %dma_start3A_692 = tpu.memref_slice %arg4[%add3A_683, %dma_start3A_691] : memref<802816x32xf32, #tpu.memory_space<hbm>> -> memref<1568x32xf32, #tpu.memory_space<hbm>>
    %dma_start3A_693 = arith.constant 0 : i32
    %dma_start3A_694 = arith.constant 0 : i32
    %dma_start3A_695 = tpu.memref_slice %arg6[%dma_start3A_684, %dma_start3A_693, %dma_start3A_694] : memref<2x1568x32xf32, #tpu.memory_space<vmem>> -> memref<1x1568x32xf32, #tpu.memory_space<vmem>>
    %dma_start3A_696 = tpu.memref_squeeze %dma_start3A_695 : memref<1x1568x32xf32, #tpu.memory_space<vmem>> -> memref<1568x32xf32, #tpu.memory_space<vmem>>
    tpu.enqueue_dma source(%dma_start3A_696 : memref<1568x32xf32, #tpu.memory_space<vmem>>) target(%dma_start3A_692 : memref<1568x32xf32, #tpu.memory_space<hbm>>) target_semaphore(%arg9 : memref<!tpu.dma_semaphore, #tpu.memory_space<semaphore_mem>>)
    %dma_wait3A_697 = arith.constant 1 : i32
    %dma_wait3A_698 = arith.constant 0 : i32
    %dma_wait3A_699 = arith.constant 0 : i32
    %dma_wait3A_700 = tpu.memref_slice %arg6[%dma_wait3A_697, %dma_wait3A_698, %dma_wait3A_699] : memref<2x1568x32xf32, #tpu.memory_space<vmem>> -> memref<1x1568x32xf32, #tpu.memory_space<vmem>>
    %dma_wait3A_701 = tpu.memref_squeeze %dma_wait3A_700 : memref<1x1568x32xf32, #tpu.memory_space<vmem>> -> memref<1568x32xf32, #tpu.memory_space<vmem>>
    %dma_wait3A_702 = arith.constant 0 : i32
    %dma_wait3A_703 = tpu.memref_slice %arg4[%add3A_635, %dma_wait3A_702] : memref<802816x32xf32, #tpu.memory_space<hbm>> -> memref<1568x32xf32, #tpu.memory_space<hbm>>
    %dma_wait3A_704 = arith.constant 0 : i32
    %dma_wait3A_705 = tpu.memref_slice %arg4[%add3A_635, %dma_wait3A_704] : memref<802816x32xf32, #tpu.memory_space<hbm>> -> memref<1568x32xf32, #tpu.memory_space<hbm>>
    %dma_wait3A_706 = arith.constant 0 : i32
    %dma_wait3A_707 = arith.constant 0 : i32
    %dma_wait3A_708 = tpu.memref_slice %arg6[%dma_wait3A_697, %dma_wait3A_706, %dma_wait3A_707] : memref<2x1568x32xf32, #tpu.memory_space<vmem>> -> memref<1x1568x32xf32, #tpu.memory_space<vmem>>
    %dma_wait3A_709 = tpu.memref_squeeze %dma_wait3A_708 : memref<1x1568x32xf32, #tpu.memory_space<vmem>> -> memref<1568x32xf32, #tpu.memory_space<vmem>>
    tpu.wait_dma2 semaphore(%arg10 : memref<!tpu.dma_semaphore, #tpu.memory_space<semaphore_mem>>) src(%dma_wait3A_709 : memref<1568x32xf32, #tpu.memory_space<vmem>>) dst(%dma_wait3A_705 : memref<1568x32xf32, #tpu.memory_space<hbm>>)
    %dma_start3A_710 = arith.constant 1 : i32
    %dma_start3A_711 = arith.constant 0 : i32
    %dma_start3A_712 = arith.constant 0 : i32
    %dma_start3A_713 = tpu.memref_slice %arg6[%dma_start3A_710, %dma_start3A_711, %dma_start3A_712] : memref<2x1568x32xf32, #tpu.memory_space<vmem>> -> memref<1x1568x32xf32, #tpu.memory_space<vmem>>
    %dma_start3A_714 = tpu.memref_squeeze %dma_start3A_713 : memref<1x1568x32xf32, #tpu.memory_space<vmem>> -> memref<1568x32xf32, #tpu.memory_space<vmem>>
    %dma_start3A_715 = arith.constant 23520 : i32
    %dma_start3A_716 = tpu.memref_slice %arg5[%dma_start3A_715] : memref<25088xi32, #tpu.memory_space<vmem>> -> memref<1568xi32, #tpu.memory_space<vmem>>
    %dma_start3A_717 = arith.constant 0 : i32
    %dma_start3A_718 = arith.constant 0 : i32
    %dma_start3A_719 = tpu.memref_slice %arg7[%dma_start3A_717, %dma_start3A_718] : memref<32x32xf32, #tpu.memory_space<vmem_shared>> -> memref<32x32xf32, #tpu.memory_space<vmem_shared>>
    tpu.enqueue_indirect_dma source(%dma_start3A_719 : memref<32x32xf32, #tpu.memory_space<vmem_shared>>) target(%dma_start3A_714 : memref<1568x32xf32, #tpu.memory_space<vmem>>) offsets(%dma_start3A_716 : memref<1568xi32, #tpu.memory_space<vmem>>) semaphore(%arg8 : memref<!tpu.dma_semaphore, #tpu.memory_space<semaphore_mem>>)
    %dma_wait3A_720 = arith.constant 1 : i32
    %dma_wait3A_721 = arith.constant 0 : i32
    %dma_wait3A_722 = arith.constant 0 : i32
    %dma_wait3A_723 = tpu.memref_slice %arg6[%dma_wait3A_720, %dma_wait3A_721, %dma_wait3A_722] : memref<2x1568x32xf32, #tpu.memory_space<vmem>> -> memref<1x1568x32xf32, #tpu.memory_space<vmem>>
    %dma_wait3A_724 = tpu.memref_squeeze %dma_wait3A_723 : memref<1x1568x32xf32, #tpu.memory_space<vmem>> -> memref<1568x32xf32, #tpu.memory_space<vmem>>
    %dma_wait3A_725 = arith.constant 23520 : i32
    %dma_wait3A_726 = tpu.memref_slice %arg5[%dma_wait3A_725] : memref<25088xi32, #tpu.memory_space<vmem>> -> memref<1568xi32, #tpu.memory_space<vmem>>
    %dma_wait3A_727 = arith.constant 0 : i32
    %dma_wait3A_728 = arith.constant 0 : i32
    %dma_wait3A_729 = tpu.memref_slice %arg7[%dma_wait3A_727, %dma_wait3A_728] : memref<32x32xf32, #tpu.memory_space<vmem_shared>> -> memref<32x32xf32, #tpu.memory_space<vmem_shared>>
    tpu.wait_indirect_dma semaphore(%arg8 : memref<!tpu.dma_semaphore, #tpu.memory_space<semaphore_mem>>) src(%dma_wait3A_729 : memref<32x32xf32, #tpu.memory_space<vmem_shared>>) dst(%dma_wait3A_724 : memref<1568x32xf32, #tpu.memory_space<vmem>>)
    %add3A_730 = arith.constant 23520 : i32
    %add3A_731 = arith.addi %mul3A_2, %add3A_730 : i32
    %dma_start3A_732 = arith.constant 1 : i32
    %dma_start3A_733 = arith.constant 0 : i32
    %dma_start3A_734 = arith.constant 0 : i32
    %dma_start3A_735 = tpu.memref_slice %arg6[%dma_start3A_732, %dma_start3A_733, %dma_start3A_734] : memref<2x1568x32xf32, #tpu.memory_space<vmem>> -> memref<1x1568x32xf32, #tpu.memory_space<vmem>>
    %dma_start3A_736 = tpu.memref_squeeze %dma_start3A_735 : memref<1x1568x32xf32, #tpu.memory_space<vmem>> -> memref<1568x32xf32, #tpu.memory_space<vmem>>
    %dma_start3A_737 = arith.constant 0 : i32
    %dma_start3A_738 = tpu.memref_slice %arg4[%add3A_731, %dma_start3A_737] : memref<802816x32xf32, #tpu.memory_space<hbm>> -> memref<1568x32xf32, #tpu.memory_space<hbm>>
    %dma_start3A_739 = arith.constant 0 : i32
    %dma_start3A_740 = tpu.memref_slice %arg4[%add3A_731, %dma_start3A_739] : memref<802816x32xf32, #tpu.memory_space<hbm>> -> memref<1568x32xf32, #tpu.memory_space<hbm>>
    %dma_start3A_741 = arith.constant 0 : i32
    %dma_start3A_742 = arith.constant 0 : i32
    %dma_start3A_743 = tpu.memref_slice %arg6[%dma_start3A_732, %dma_start3A_741, %dma_start3A_742] : memref<2x1568x32xf32, #tpu.memory_space<vmem>> -> memref<1x1568x32xf32, #tpu.memory_space<vmem>>
    %dma_start3A_744 = tpu.memref_squeeze %dma_start3A_743 : memref<1x1568x32xf32, #tpu.memory_space<vmem>> -> memref<1568x32xf32, #tpu.memory_space<vmem>>
    tpu.enqueue_dma source(%dma_start3A_744 : memref<1568x32xf32, #tpu.memory_space<vmem>>) target(%dma_start3A_740 : memref<1568x32xf32, #tpu.memory_space<hbm>>) target_semaphore(%arg10 : memref<!tpu.dma_semaphore, #tpu.memory_space<semaphore_mem>>)
    %dma_wait3A_745 = arith.constant 0 : i32
    %dma_wait3A_746 = arith.constant 0 : i32
    %dma_wait3A_747 = arith.constant 0 : i32
    %dma_wait3A_748 = tpu.memref_slice %arg6[%dma_wait3A_745, %dma_wait3A_746, %dma_wait3A_747] : memref<2x1568x32xf32, #tpu.memory_space<vmem>> -> memref<1x1568x32xf32, #tpu.memory_space<vmem>>
    %dma_wait3A_749 = tpu.memref_squeeze %dma_wait3A_748 : memref<1x1568x32xf32, #tpu.memory_space<vmem>> -> memref<1568x32xf32, #tpu.memory_space<vmem>>
    %dma_wait3A_750 = arith.constant 0 : i32
    %dma_wait3A_751 = tpu.memref_slice %arg4[%add3A_683, %dma_wait3A_750] : memref<802816x32xf32, #tpu.memory_space<hbm>> -> memref<1568x32xf32, #tpu.memory_space<hbm>>
    %dma_wait3A_752 = arith.constant 0 : i32
    %dma_wait3A_753 = tpu.memref_slice %arg4[%add3A_683, %dma_wait3A_752] : memref<802816x32xf32, #tpu.memory_space<hbm>> -> memref<1568x32xf32, #tpu.memory_space<hbm>>
    %dma_wait3A_754 = arith.constant 0 : i32
    %dma_wait3A_755 = arith.constant 0 : i32
    %dma_wait3A_756 = tpu.memref_slice %arg6[%dma_wait3A_745, %dma_wait3A_754, %dma_wait3A_755] : memref<2x1568x32xf32, #tpu.memory_space<vmem>> -> memref<1x1568x32xf32, #tpu.memory_space<vmem>>
    %dma_wait3A_757 = tpu.memref_squeeze %dma_wait3A_756 : memref<1x1568x32xf32, #tpu.memory_space<vmem>> -> memref<1568x32xf32, #tpu.memory_space<vmem>>
    tpu.wait_dma2 semaphore(%arg9 : memref<!tpu.dma_semaphore, #tpu.memory_space<semaphore_mem>>) src(%dma_wait3A_757 : memref<1568x32xf32, #tpu.memory_space<vmem>>) dst(%dma_wait3A_753 : memref<1568x32xf32, #tpu.memory_space<hbm>>)
    %dma_wait3A_758 = arith.constant 1 : i32
    %dma_wait3A_759 = arith.constant 0 : i32
    %dma_wait3A_760 = arith.constant 0 : i32
    %dma_wait3A_761 = tpu.memref_slice %arg6[%dma_wait3A_758, %dma_wait3A_759, %dma_wait3A_760] : memref<2x1568x32xf32, #tpu.memory_space<vmem>> -> memref<1x1568x32xf32, #tpu.memory_space<vmem>>
    %dma_wait3A_762 = tpu.memref_squeeze %dma_wait3A_761 : memref<1x1568x32xf32, #tpu.memory_space<vmem>> -> memref<1568x32xf32, #tpu.memory_space<vmem>>
    %dma_wait3A_763 = arith.constant 0 : i32
    %dma_wait3A_764 = tpu.memref_slice %arg4[%add3A_731, %dma_wait3A_763] : memref<802816x32xf32, #tpu.memory_space<hbm>> -> memref<1568x32xf32, #tpu.memory_space<hbm>>
    %dma_wait3A_765 = arith.constant 0 : i32
    %dma_wait3A_766 = tpu.memref_slice %arg4[%add3A_731, %dma_wait3A_765] : memref<802816x32xf32, #tpu.memory_space<hbm>> -> memref<1568x32xf32, #tpu.memory_space<hbm>>
    %dma_wait3A_767 = arith.constant 0 : i32
    %dma_wait3A_768 = arith.constant 0 : i32
    %dma_wait3A_769 = tpu.memref_slice %arg6[%dma_wait3A_758, %dma_wait3A_767, %dma_wait3A_768] : memref<2x1568x32xf32, #tpu.memory_space<vmem>> -> memref<1x1568x32xf32, #tpu.memory_space<vmem>>
    %dma_wait3A_770 = tpu.memref_squeeze %dma_wait3A_769 : memref<1x1568x32xf32, #tpu.memory_space<vmem>> -> memref<1568x32xf32, #tpu.memory_space<vmem>>
    tpu.wait_dma2 semaphore(%arg10 : memref<!tpu.dma_semaphore, #tpu.memory_space<semaphore_mem>>) src(%dma_wait3A_770 : memref<1568x32xf32, #tpu.memory_space<vmem>>) dst(%dma_wait3A_766 : memref<1568x32xf32, #tpu.memory_space<hbm>>)
    return
  }
}

module attributes {stable_mosaic.version = 14 : i64} {
  func.func @_table_body(%arg0: memref<8x32xf32, #tpu.memory_space<vmem>>, %arg1: memref<8x32xf32, #tpu.memory_space<vmem>>, %arg2: memref<32x8xf32, #tpu.memory_space<vmem>>, %arg3: memref<32x8xf32, #tpu.memory_space<vmem>>, %arg4: memref<32x32xf32, #tpu.memory_space<vmem>>) attributes {dimension_semantics = [], scalar_prefetch = 0 : i64, scratch_operands = 0 : i64, tpu.core_type = #tpu.core_type<tc>} {
    %get3A = arith.constant 0 : index
    %get3A_0 = arith.constant 0 : index
    %get3A_1 = vector.load %arg2[%get3A, %get3A_0] : memref<32x8xf32, #tpu.memory_space<vmem>>, vector<32x8xf32>
    %get3A_2 = arith.constant 0 : index
    %get3A_3 = arith.constant 0 : index
    %get3A_4 = vector.load %arg1[%get3A_2, %get3A_3] : memref<8x32xf32, #tpu.memory_space<vmem>>, vector<8x32xf32>
    %dot_general3A = arith.constant dense<0.000000e+00> : vector<32x32xf32>
    %dot_general3A_5 = tpu.matmul %get3A_1, %get3A_4, %dot_general3A {dimension_numbers = #tpu.dot_dimension_numbers<[1], [0], [0], [1], [0, 0, 1, 1], [], []>, precision = #tpu.contract_precision<fp32>, transpose_lhs_hint = false} : vector<32x8xf32>, vector<8x32xf32>, vector<32x32xf32> -> vector<32x32xf32>
    %get3A_6 = arith.constant 0 : index
    %get3A_7 = arith.constant 0 : index
    %get3A_8 = vector.load %arg3[%get3A_6, %get3A_7] : memref<32x8xf32, #tpu.memory_space<vmem>>, vector<32x8xf32>
    %get3A_9 = arith.constant 0 : index
    %get3A_10 = arith.constant 0 : index
    %get3A_11 = vector.load %arg0[%get3A_9, %get3A_10] : memref<8x32xf32, #tpu.memory_space<vmem>>, vector<8x32xf32>
    %dot_general3A_12 = arith.constant dense<0.000000e+00> : vector<32x32xf32>
    %dot_general3A_13 = tpu.matmul %get3A_8, %get3A_11, %dot_general3A_12 {dimension_numbers = #tpu.dot_dimension_numbers<[1], [0], [0], [1], [0, 0, 1, 1], [], []>, precision = #tpu.contract_precision<fp32>, transpose_lhs_hint = false} : vector<32x8xf32>, vector<8x32xf32>, vector<32x32xf32> -> vector<32x32xf32>
    %add3A = arith.addf %dot_general3A_5, %dot_general3A_13 : vector<32x32xf32>
    %swap3A = arith.constant 0 : index
    %swap3A_14 = arith.constant 0 : index
    %swap3A_15 = vector.load %arg4[%swap3A, %swap3A_14] : memref<32x32xf32, #tpu.memory_space<vmem>>, vector<32x32xf32>
    tpu.vector_store %arg4[%swap3A, %swap3A_14], %add3A {strides = array<i32>} : memref<32x32xf32, #tpu.memory_space<vmem>>, vector<32x32xf32>,
    return
  }
}

</mosaic_0001>

<sc_bundles>
// kernel: kernel.4.cloned.1.call-start
scs
__scs_entry_jumppad:
0x0: {  	(pc) =	sbr.rel $0x88, $3  }
0x1: {  	(tag) =	ssettag $0x0;
	lr =	simm.s32 $0x1  }
0x2: {  	[smem:$0x3F9E] =	sst lr;
	_ =	strace $0xD0000000  }
0x3: {  	_ = 	snop  }
0x4: {  	_ = 	snop  }
0x5: {  	_ = 	snop  }
0x6: {  	_ = 	snop  }
0x7: {  	_ = 	snop  }
__scs_overlays_trampoline_lowered:
0x8: {  	[smem:$0x3FAD] =	sst s0  }
0x9: {  	[smem:$0x3FAE] =	sst s1  }
0xa: {  	[smem:$0x3FAF] =	sst s2  }
0xb: {  	[smem:$0x3FB0] =	sst s3  }
0xc: {  	[smem:$0x3FB1] =	sst s4  }
0xd: {  	[smem:$0x3FB2] =	sst s5  }
0xe: {  	[smem:$0x3FB3] =	sst s6  }
0xf: {  	[smem:$0x3FB4] =	sst s7  }
0x10: {  	[smem:$0x3FB5] =	sst s8  }
0x11: {  	[smem:$0x3FB6] =	sst s9;
	s0 =	simm.s32 @!p0 $0x0  }
0x12: {  	s1 =	sld [smem:$0x3F9C];
	s0 =	simm.s32 @p0 $0x1  }
0x13: {  	[smem:$0x3FB7] =	sst s0;
	s0 =	simm.s32 @!p1 $0x0  }
0x14: {  	s2 =	sld [smem:$0x3F9B];
	s0 =	simm.s32 @p1 $0x1  }
0x15: {  	[smem:$0x3FB8] =	sst s0;
	s0 =	simm.s32 @!p2 $0x0  }
0x16: {  	s3 =	sld [smem:$0x3FDB];
	s0 =	simm.s32 @p2 $0x1  }
0x17: {  	s4 =	simm.s32 $0x1BF5;
	[smem:$0x3FBA] =	sst s0  }
0x18: {  	s0 =	sld [smem:$0x3F9D];
	_ =	swait.ge [sflag:s4], $0x0  }
0x19: {  	s7 =	sld [smem:$0x3F9E]  }
0x1a: {  	s8 =	sadd.s32 $0xFFFFE003, lr  }
0x1b: {  	s9 =	sadd.s32 $0xFFFFFEF7, lr;
	s5 =	simm.s32 $0xFFFFFFFF;
	p2 =	slt.u32 s8, $0xFFFFF086  }
0x1c: {  	p1 =	slt.u32 s9, $0xF7A;
	s5 =	simm.s32 @!p2 $0x0  }
0x1d: {  	s5 =	simm.s32 @p1 $0x1;
	p0 =	seq.s32 s7, s2  }
0x1e: {  	s7 =	smul.u32 @!p0 $0xF7A, s2;
	p2 =	seq.s32 @!p0 s5, $0x0  }
0x1f: {  	s9 =	smul.u32 $0xF7A, s1;
	s8 =	simm.s32 @!p0 $0x1BF5;
	p2 =	por !p2, p0  }
0x20: {  	[sflag:s8] =	ssyncset.s32 @!p0 $0xFFFFF086;
	s6 =	sadd.s32 @!p0 s3, s7;
	s7 =	simm.s32 @!p0 $0x108  }
0x21: {  	s3 =	sadd.s32 s3, s9;
	s6 =	sadd.s32 @!p0 $0x88, s6;
	s7 =	simm.s32 @p2 $0x1082  }
0x22: {  	[simem:s7], [sflag:s8] =	dma.local @!p0 [hbm:s6], $0xF7A  }
0x23: {  	s9 =	sor.u32 $0xD0000000, s2;
	s6 =	simm.s32 $0x108;
	_ =	swait.ge @!p0 [sflag:s8], $0x0  }
0x24: {  	s3 =	sadd.s32 $0x88, s3;
	s6 =	simm.s32 @!p1 $0x1082;
	[sflag:s4] =	ssyncset.s32 $0xFFFFF086  }
0x25: {  	[simem:s6], [sflag:s4] =	dma.local [hbm:s3], $0xF7A  }
0x26: {  	[smem:$0x3F9E] =	sst s1;
	(tag) =	ssettag s2;
	_ =	strace s9  }
0x27: {  	s1 =	sld [smem:$0x3FAE]  }
0x28: {  	s2 =	sld [smem:$0x3FAF]  }
0x29: {  	s4 =	sld [smem:$0x3FB1]  }
0x2a: {  	p0 =	seq.s32 s5, $0x0;
	s5 =	sld [smem:$0x3FB2]  }
0x2b: {  	s6 =	sld [smem:$0x3FB3]  }
0x2c: {  	s7 =	sld [smem:$0x3FB4]  }
0x2d: {  	s3 =	simm.s32 $0x108;
	s8 =	sld [smem:$0x3FB5]  }
0x2e: {  	s3 =	simm.s32 @!p0 $0x1082;
	s9 =	sld [smem:$0x3FB6]  }
0x2f: {  	lr =	sadd.s32 s0, s3;
	s0 =	sld [smem:$0x3FAD]  }
0x30: {  	s3 =	sld [smem:$0x3FB0]  }
0x31: {  	[smem:$0x3FB9] =	sst s10  }
0x32: {  	s10 =	sld [smem:$0x3FB7];
	_ =	sdelay $0x3  }
0x33: {  	p0 =	seq.s32 s10, $0x1;
	s10 =	sld [smem:$0x3FB9];
	_ =	sdelay $0x3  }
0x34: {  	[smem:$0x3FB9] =	sst s10  }
0x35: {  	s10 =	sld [smem:$0x3FB8];
	_ =	sdelay $0x3  }
0x36: {  	p1 =	seq.s32 s10, $0x1;
	s10 =	sld [smem:$0x3FB9];
	_ =	sdelay $0x3  }
0x37: {  	[smem:$0x3FB9] =	sst s10  }
0x38: {  	s10 =	sld [smem:$0x3FBA]  }
0x39: {  	_ = 	snop;
	(pc) =	sbr.ind lr, $3  }
0x3a: {  	_ = 	snop  }
0x3b: {  	_ = 	snop  }
0x3c: {  	p2 =	seq.s32 s10, $0x1;
	s10 =	sld [smem:$0x3FB9]  }
0x3d: {  	_ =	shalt  }
0x3e: {  	_ =	shalt  }
0x3f: {  	_ =	shalt  }
0x40: {  	_ =	shalt  }
0x41: {  	_ =	shalt  }
0x42: {  	_ =	shalt  }
0x43: {  	_ =	shalt  }
0x44: {  	_ =	shalt  }
0x45: {  	_ =	shalt  }
0x46: {  	_ =	shalt  }
0x47: {  	_ =	shalt  }
0x48: {  	_ =	shalt  }
0x49: {  	_ =	shalt  }
0x4a: {  	_ =	shalt  }
0x4b: {  	_ =	shalt  }
0x4c: {  	_ =	shalt  }
0x4d: {  	_ =	shalt  }
0x4e: {  	_ =	shalt  }
0x4f: {  	_ =	shalt  }
0x50: {  	_ =	shalt  }
0x51: {  	_ =	shalt  }
0x52: {  	_ =	shalt  }
0x53: {  	_ =	shalt  }
0x54: {  	_ =	shalt  }
0x55: {  	_ =	shalt  }
0x56: {  	_ =	shalt  }
0x57: {  	_ =	shalt  }
0x58: {  	_ =	shalt  }
0x59: {  	_ =	shalt  }
0x5a: {  	_ =	shalt  }
0x5b: {  	_ =	shalt  }
0x5c: {  	_ =	shalt  }
0x5d: {  	_ =	shalt  }
0x5e: {  	_ =	shalt  }
0x5f: {  	_ =	shalt  }
0x60: {  	_ =	shalt  }
0x61: {  	_ =	shalt  }
0x62: {  	_ =	shalt  }
0x63: {  	_ =	shalt  }
0x64: {  	_ =	shalt  }
0x65: {  	_ =	shalt  }
0x66: {  	_ =	shalt  }
0x67: {  	_ =	shalt  }
0x68: {  	_ =	shalt  }
0x69: {  	_ =	shalt  }
0x6a: {  	_ =	shalt  }
0x6b: {  	_ =	shalt  }
0x6c: {  	_ =	shalt  }
0x6d: {  	_ =	shalt  }
0x6e: {  	_ =	shalt  }
0x6f: {  	_ =	shalt  }
0x70: {  	_ =	shalt  }
0x71: {  	_ =	shalt  }
0x72: {  	_ =	shalt  }
0x73: {  	_ =	shalt  }
0x74: {  	_ =	shalt  }
0x75: {  	_ =	shalt  }
0x76: {  	_ =	shalt  }
0x77: {  	_ =	shalt  }
0x78: {  	_ =	shalt  }
0x79: {  	_ =	shalt  }
0x7a: {  	_ =	shalt  }
0x7b: {  	_ =	shalt  }
0x7c: {  	_ =	shalt  }
0x7d: {  	_ =	shalt  }
0x7e: {  	_ =	shalt  }
0x7f: {  	_ =	shalt  }
0x80: {  	_ =	shalt  }
0x81: {  	_ =	shalt  }
0x82: {  	_ =	shalt  }
0x83: {  	_ =	shalt  }
0x84: {  	_ =	shalt  }
0x85: {  	_ =	shalt  }
0x86: {  	_ =	shalt  }
0x87: {  	_ =	shalt  }
.Lfunc_end0:
.L_simem_size_0:
called_computation.1_lowered:
.L_overlay_start_0:
0x88: {  	s2 =	sld [smem:$0x3FD9]  }
0x89: {  	s3 =	sld [smem:$0x3FFE];
	_ =	sdelay $0x1  }
0x8a: {  	s1 =	srdreg.scid  }
0x8b: {  	s0 =	sand.u32 $0x1, s1  }
0x8c: {  	s17 =	sshll.u32 s0, $0xA;
	s2 =	sadd.s32 s3, s2  }
0x8d: {  	s2 =	sadd.s32 s2, s17  }
0x8e: {  	[smem:$0x3FC5] =	sst s2  }
0x8f: {  	_ = 	snop  }
0x90: {  	s2 =	sld [smem:$0x3FD0];
	(tm) =	ssettm $0x1  }
0x91: {  	s18 =	sld [smem:$0x3FFB];
	_ =	sdelay $0x3  }
0x92: {  	_ =	strace s18  }
0x93: {  	s3 =	sld [smem:$0x3FFC];
	_ =	sdelay $0x3  }
0x94: {  	_ =	strace s3  }
0x95: {  	s3 =	sld [smem:$0x3FFD];
	_ =	sdelay $0x3  }
0x96: {  	_ =	strace s3  }
0x97: {  	_ =	strace $0x8FFFFFFF  }
0x98: {  	s19 =	sld [smem:$0x3FDB];
	_ =	sdelay $0x1  }
0x99: {  	s4 =	simm.s32 $_scs_section_size  }
0x9a: {  	s5 =	simm.s32 $_size__tile_overlayer_lowered;
	s6 =	simm.s32 $_tile_overlayer_lowered  }
0x9b: {  	s22 =	simm.s32 $0x1BFF;
	s21 =	sshll.u32 s6, $0x1;
	s3 =	sadd.s32 s4, s19  }
0x9c: {  	s7 =	simm.s32 $0x0;
	s20 =	sshll.u32 s5, $0x1;
	s5 =	sadd.s32 s21, s3  }
0x9d: {  	[timem:s7], [sflag:s22] =	dma.local [hbm:s5], s20  }
0x9e: {  	_ =	swait.ge [sflag:s22], s20  }
0x9f: {  	s4 =	ssub.s32 $0x0, s20;
	[sflag:s22] =	ssyncset.done $0x0  }
0xa0: {  	[sflag:s22] =	ssyncadd.s32 s4;
	_ =	sdelay $0x1  }
0xa1: {  	s23 =	simm.s32 $0x1B8B  }
0xa2: {  	_ =	swait.ge [sflag:s23], $0x1  }
0xa3: {  	[sflag:s23] =	ssyncset.done $0x0  }
0xa4: {  	s25 =	simm.s32 $0x1B8E;
	s24 =	sld [smem:$0x3FFE];
	[sflag:s23] =	ssyncadd.s32 $0xFFFFFFFF  }
0xa5: {  	s26 =	simm.s32 $execute0_lowered;
	[smem:$0x3FD2] =	sst s25  }
0xa6: {  	s5 =	sshll.u32 s26, $0x1;
	_ =	strace $0x80000046;
	[dreg:$0x1] =	wrdreg $0xFFFFFFFF  }
0xa7: {  	s28 =	simm.s32 $_size_execute0_lowered;
	s3 =	sadd.s32 s3, s5;
	[dreg:$0x0] =	wrdreg $0x0  }
0xa8: {  	s5 =	sshll.u32 s28, $0x1;
	[dreg:$0x2] =	wrdreg s3  }
0xa9: {  	[dreg:$0x3] =	wrdreg s5  }
0xaa: {  	[dreg:$0x4] =	wrdreg $0xC0  }
0xab: {  	_ =	task [dreg:s7], $0x5FFFF  }
0xac: {  	[dreg:$0x1] =	wrdreg $0xFFFFFFFF  }
0xad: {  	[dreg:$0x0] =	wrdreg $0x60  }
0xae: {  	[dreg:$0x2] =	wrdreg s24  }
0xaf: {  	[dreg:$0x3] =	wrdreg s2  }
0xb0: {  	[dreg:$0x4] =	wrdreg $0x1EA000  }
0xb1: {  	[dreg:$0x5] =	wrdreg $0x9  }
0xb2: {  	_ =	task.clear_ibuf [dreg:s7], $0x6FFFF;
	_ =	strace $0x90000046  }
0xb3: {  	s29 =	simm.s32 $0x9;
	_ =	strace $0x80000048  }
0xb4: {  	_ =	swait.ge [sflag:s29], $0x1  }
0xb5: {  	[sflag:s29] =	ssyncadd.s32 $0xFFFFFFFF  }
0xb6: {  	_ =	strace $0x90000048  }
0xb7: {  	_ =	sfence  }
0xb8: {  	s30 =	sld [smem:$0x0];
	_ =	sdelay $0x2  }
0xb9: {  	s31 =	sshll.u32 s1, $0xD;
	s1 =	sshrl.u32 s1, $0x2  }
0xba: {  	s3 =	sand.u32 $0x4000, s31;
	s1 =	sadd.s32 s1, s30  }
0xbb: {  	s0 =	sor.u32 s3, s0;
	s1 =	sshll.u32 s1, $0x11  }
0xbc: {  	s0 =	sor.u32 s1, s0  }
0xbd: {  	s0 =	sadd.s32 $0x8F2B, s0  }
0xbe: {  	[sflag:s0] =	ssyncadd.remote.s32 $0x1  }
0xbf: {  	_ =	sfence.sel $0xFFFF  }
0xc0: {  	[dreg:$0x0] =	wrdreg $0xFFFFFFFF;
	(pc) =	sbr.abs _section_cstart, $3  }
0xc1: {  	[dreg:$0x1] =	wrdreg $0xFFFFFFFF  }
0xc2: {  	_ =	task.clear_ibuf [dreg:s7], $0x2FFFF;
	_ =	strace $0x9FFFFFFF  }
0xc3: {  	(tm) =	ssettm $0x7FFFFFFF  }
tec
execute0_lowered:
.L_overlay_start_1:
0x0: {  	(tag) =	ssettag $0x1  }
0x1: {  	s0 =	rddreg [dreg:$0x0]  }
0x2: {  	s3 =	rddreg [dreg:$0x1];
	s2 =	srdreg.scid  }
0x3: {  	s4 =	stileid.u32;
	s1 =	rddreg [dreg:$0x2]  }
0x4: {  	s30 =	rddreg [dreg:$0x3];
	s5 =	sand.u32 $0x1, s2;
	s6 =	sshll.u32 s4, $0x1  }
0x5: {  	s9 =	simm.s32 $0x620;
	p1 =	por $0x0, $0x0;
	s6 =	sor.u32 s5, s6  }
0x6: {  	s2 =	simm.s32 $0x0;
	p0 =	sne.s32 s4, $0x0;
	s7 =	smul.u32 $0xC40, s6  }
0x7: {  	s4 =	simm.s32 $0x3;
	[smem:$0x7FF] =	sst s2;
	s8 =	smul.u32 $0xC4000, s6  }
0x8: {  	s5 =	ssub.s32 $0x2, s5;
	s28 =	sshrl.u32 @!p0 s1, $0x3;
	s6 =	smul.u32 $0x18800, s6  }
0x9: {  	_ =	strace $0x80000047;
	s7 =	sadd.s32 s7, s0;
	s0 =	sadd.s32 $0x1000, s0  }
0xa: {  	s25 =	sshrl.u32 s5, $0x1;
	s13 =	sadd.s32 s3, s6;
	[dreg:$0x4] =	wrdreg s0  }
0xb: {  	s12 =	sshrl.u32 s8, $0x3;
	s11 =	sadd.s32 $0x1200, s7;
	[dreg:$0x6] =	wrdreg s13  }
0xc: {  	s5 =	ssub.s32 s5, s25;
	s3 =	sadd.s32 s3, s12;
	[dreg:$0x5] =	wrdreg s11  }
0xd: {  	s25 =	simm.s32 $0xC40;
	s14 =	sadd.s32 $0x1880, s3;
	s0 =	rddreg [dreg:$0x4]  }
0xe: {  	s29 =	smax.u32 s5, $0x1;
	s15 =	sadd.s32 $0x3100, s3;
	[dreg:$0x7] =	wrdreg s14  }
0xf: {  	s8 =	simm.s32 $0x12600;
	s16 =	sadd.s32 $0x4980, s3;
	[dreg:$0x8] =	wrdreg s15  }
0x10: {  	s5 =	simm.s32 $0x2;
	s17 =	sadd.s32 $0x6200, s3;
	[dreg:$0x9] =	wrdreg s16  }
0x11: {  	s7 =	simm.s32 $0x1;
	s18 =	sadd.s32 $0x7A80, s3;
	[dreg:$0xa] =	wrdreg s17  }
0x12: {  	s31 =	sadd.s32 $0xFFFFFFFF, s29;
	s19 =	sadd.s32 $0x9300, s3;
	[dreg:$0xb] =	wrdreg s18  }
0x13: {  	s13 =	simm.s32 $0x55C0;
	s20 =	sadd.s32 $0xAB80, s3;
	[dreg:$0xc] =	wrdreg s19  }
0x14: {  	s12 =	simm.s32 $0x5BE0;
	s21 =	sadd.s32 $0xC400, s3;
	[dreg:$0xd] =	wrdreg s20  }
0x15: {  	s22 =	sadd.s32 $0xDC80, s3;
	s23 =	sadd.s32 $0xF500, s3;
	[dreg:$0xe] =	wrdreg s21  }
0x16: {  	s24 =	sadd.s32 $0x10D80, s3;
	s26 =	sadd.s32 $0x12600, s3;
	[dreg:$0xf] =	wrdreg s22  }
0x17: {  	s10 =	sadd.s32 $0x13E80, s3;
	s6 =	sadd.s32 $0x15700, s3;
	[dreg:$0x10] =	wrdreg s23  }
0x18: {  	s3 =	sadd.s32 $0x16F80, s3;
	p2 =	sne.s32 s31, $0x0;
	[dreg:$0x11] =	wrdreg s24  }
.Ltmp0:
0x19: {  	s11 =	simm.s32 $0x6200;
	[dreg:$0x12] =	wrdreg s26;
	(pc) =	sbr.rel @!p2 .LBB2_5-.Ltmp0, $4  }
0x1a: {  	s26 =	simm.s32 $0x4;
	s24 =	simm.s32 $0x1260;
	s23 =	simm.s32 $0x1880  }
0x1b: {  	s22 =	simm.s32 $0x1EA0;
	s21 =	simm.s32 $0x24C0;
	s20 =	simm.s32 $0x2AE0  }
0x1c: {  	s19 =	simm.s32 $0x3100;
	s18 =	simm.s32 $0x3720;
	s17 =	simm.s32 $0x3D40  }
0x1d: {  	s16 =	simm.s32 $0x4360;
	s15 =	simm.s32 $0x4980;
	s14 =	simm.s32 $0x4FA0  }
0x1e: {  	s29 =	simm.s32 @!p0 $0x1C04;
	s30 =	simm.s32 @!p0 $0x4  }
0x1f: {  	[spmem:s28], [sflag:s29] =	dma.local @!p0 [hbm:s0], $0x80  }
0x20: {  	_ =	swait.ge @!p0 [sflag:s30], $0x80  }
0x21: {  	[sflag:s30] =	ssyncset.done @!p0 $0x0  }
0x22: {  	[sflag:s30] =	ssyncadd.s32 @!p0 $0xFFFFFF80  }
0x23: {  	[bflag:$0x0] =	sbarrier.arrive $0xFFFF  }
0x24: {  	s0 =	rddreg [dreg:$0x5]  }
0x25: {  	[tilespmem:s2], [sflag:$0x4] =	stream.linear.gather [hbm4b:s0+s2], $0x6200, $0x38;
	[tilespmem:$0x1EA40] =	vst v63  }
0x26: {  	_ =	swait.ge [sflag:s26], $0x6200  }
0x27: {  	[sflag:s26] =	ssyncset.done $0x0  }
0x28: {  	[sflag:s26] =	ssyncadd.s32 $0xFFFF9E00  }
0x29: {  	[tilespmem:s11], [sflag:$0x1] =	stream.indirect.gather [spmem:s1], $0x20, s2, s9, $0xb8;
	[tilespmem:$0x1EA40] =	vst v63  }
0x2a: {  	_ =	swait.ge [sflag:s7], $0xC400  }
0x2b: {  	[sflag:s7] =	ssyncset.done $0x0  }
0x2c: {  	s0 =	rddreg [dreg:$0x6];
	[sflag:s7] =	ssyncadd.s32 $0xFFFF3C00  }
0x2d: {  	[hbm4b:s0+s2] =	stream.linear.scatter [tilespmem:s11], [sflag:$0x2], $0xC400, $0x38;
	[tilespmem:$0x1EA40] =	vst v63  }
0x2e: {  	_ = 	snop  }
0x2f: {  	[tilespmem:s8], [sflag:$0x1] =	stream.indirect.gather [spmem:s1], $0x20, s9, s9, $0xb8;
	[tilespmem:$0x1EA40] =	vst v63  }
0x30: {  	_ =	swait.ge [sflag:s7], $0xC400  }
0x31: {  	[sflag:s7] =	ssyncset.done $0x0  }
0x32: {  	s0 =	rddreg [dreg:$0x7];
	[sflag:s7] =	ssyncadd.s32 $0xFFFF3C00  }
0x33: {  	[hbm4b:s0+s2] =	stream.linear.scatter [tilespmem:s8], [sflag:$0x3], $0xC400, $0x38;
	[tilespmem:$0x1EA40] =	vst v63  }
0x34: {  	_ =	swait.ge [sflag:s5], $0xC400  }
0x35: {  	[sflag:s5] =	ssyncset.done $0x0  }
0x36: {  	[sflag:s5] =	ssyncadd.s32 $0xFFFF3C00  }
0x37: {  	[tilespmem:s11], [sflag:$0x1] =	stream.indirect.gather [spmem:s1], $0x20, s25, s9, $0xb8;
	[tilespmem:$0x1EA40] =	vst v63  }
0x38: {  	_ =	swait.ge [sflag:s7], $0xC400  }
0x39: {  	[sflag:s7] =	ssyncset.done $0x0  }
0x3a: {  	s0 =	rddreg [dreg:$0x8];
	[sflag:s7] =	ssyncadd.s32 $0xFFFF3C00  }
0x3b: {  	[hbm4b:s0+s2] =	stream.linear.scatter [tilespmem:s11], [sflag:$0x2], $0xC400, $0x38;
	[tilespmem:$0x1EA40] =	vst v63  }
0x3c: {  	_ =	swait.ge [sflag:s4], $0xC400  }
0x3d: {  	[sflag:s4] =	ssyncset.done $0x0  }
0x3e: {  	[sflag:s4] =	ssyncadd.s32 $0xFFFF3C00  }
0x3f: {  	[tilespmem:s8], [sflag:$0x1] =	stream.indirect.gather [spmem:s1], $0x20, s24, s9, $0xb8;
	[tilespmem:$0x1EA40] =	vst v63  }
0x40: {  	_ =	swait.ge [sflag:s7], $0xC400  }
0x41: {  	[sflag:s7] =	ssyncset.done $0x0  }
0x42: {  	s0 =	rddreg [dreg:$0x9];
	[sflag:s7] =	ssyncadd.s32 $0xFFFF3C00  }
0x43: {  	[hbm4b:s0+s2] =	stream.linear.scatter [tilespmem:s8], [sflag:$0x3], $0xC400, $0x38;
	[tilespmem:$0x1EA40] =	vst v63  }
0x44: {  	_ =	swait.ge [sflag:s5], $0xC400  }
0x45: {  	[sflag:s5] =	ssyncset.done $0x0  }
0x46: {  	[sflag:s5] =	ssyncadd.s32 $0xFFFF3C00  }
0x47: {  	[tilespmem:s11], [sflag:$0x1] =	stream.indirect.gather [spmem:s1], $0x20, s23, s9, $0xb8;
	[tilespmem:$0x1EA40] =	vst v63  }
0x48: {  	_ =	swait.ge [sflag:s7], $0xC400  }
0x49: {  	[sflag:s7] =	ssyncset.done $0x0  }
0x4a: {  	s0 =	rddreg [dreg:$0xa];
	[sflag:s7] =	ssyncadd.s32 $0xFFFF3C00  }
0x4b: {  	[hbm4b:s0+s2] =	stream.linear.scatter [tilespmem:s11], [sflag:$0x2], $0xC400, $0x38;
	[tilespmem:$0x1EA40] =	vst v63  }
0x4c: {  	_ =	swait.ge [sflag:s4], $0xC400  }
0x4d: {  	[sflag:s4] =	ssyncset.done $0x0  }
0x4e: {  	[sflag:s4] =	ssyncadd.s32 $0xFFFF3C00  }
0x4f: {  	[tilespmem:s8], [sflag:$0x1] =	stream.indirect.gather [spmem:s1], $0x20, s22, s9, $0xb8;
	[tilespmem:$0x1EA40] =	vst v63  }
0x50: {  	_ =	swait.ge [sflag:s7], $0xC400  }
0x51: {  	[sflag:s7] =	ssyncset.done $0x0  }
0x52: {  	s0 =	rddreg [dreg:$0xb];
	[sflag:s7] =	ssyncadd.s32 $0xFFFF3C00  }
0x53: {  	[hbm4b:s0+s2] =	stream.linear.scatter [tilespmem:s8], [sflag:$0x3], $0xC400, $0x38;
	[tilespmem:$0x1EA40] =	vst v63  }
0x54: {  	_ =	swait.ge [sflag:s5], $0xC400  }
0x55: {  	[sflag:s5] =	ssyncset.done $0x0  }
0x56: {  	[sflag:s5] =	ssyncadd.s32 $0xFFFF3C00  }
0x57: {  	[tilespmem:s11], [sflag:$0x1] =	stream.indirect.gather [spmem:s1], $0x20, s21, s9, $0xb8;
	[tilespmem:$0x1EA40] =	vst v63  }
0x58: {  	_ =	swait.ge [sflag:s7], $0xC400  }
0x59: {  	[sflag:s7] =	ssyncset.done $0x0  }
0x5a: {  	s0 =	rddreg [dreg:$0xc];
	[sflag:s7] =	ssyncadd.s32 $0xFFFF3C00  }
0x5b: {  	[hbm4b:s0+s2] =	stream.linear.scatter [tilespmem:s11], [sflag:$0x2], $0xC400, $0x38;
	[tilespmem:$0x1EA40] =	vst v63  }
0x5c: {  	_ =	swait.ge [sflag:s4], $0xC400  }
0x5d: {  	[sflag:s4] =	ssyncset.done $0x0  }
0x5e: {  	[sflag:s4] =	ssyncadd.s32 $0xFFFF3C00  }
0x5f: {  	[tilespmem:s8], [sflag:$0x1] =	stream.indirect.gather [spmem:s1], $0x20, s20, s9, $0xb8;
	[tilespmem:$0x1EA40] =	vst v63  }
0x60: {  	_ =	swait.ge [sflag:s7], $0xC400  }
0x61: {  	[sflag:s7] =	ssyncset.done $0x0  }
0x62: {  	s0 =	rddreg [dreg:$0xd];
	[sflag:s7] =	ssyncadd.s32 $0xFFFF3C00  }
0x63: {  	[hbm4b:s0+s2] =	stream.linear.scatter [tilespmem:s8], [sflag:$0x3], $0xC400, $0x38;
	[tilespmem:$0x1EA40] =	vst v63  }
0x64: {  	_ =	swait.ge [sflag:s5], $0xC400  }
0x65: {  	[sflag:s5] =	ssyncset.done $0x0  }
0x66: {  	[sflag:s5] =	ssyncadd.s32 $0xFFFF3C00  }
0x67: {  	[tilespmem:s11], [sflag:$0x1] =	stream.indirect.gather [spmem:s1], $0x20, s19, s9, $0xb8;
	[tilespmem:$0x1EA40] =	vst v63  }
0x68: {  	_ =	swait.ge [sflag:s7], $0xC400  }
0x69: {  	[sflag:s7] =	ssyncset.done $0x0  }
0x6a: {  	s0 =	rddreg [dreg:$0xe];
	[sflag:s7] =	ssyncadd.s32 $0xFFFF3C00  }
0x6b: {  	[hbm4b:s0+s2] =	stream.linear.scatter [tilespmem:s11], [sflag:$0x2], $0xC400, $0x38;
	[tilespmem:$0x1EA40] =	vst v63  }
0x6c: {  	_ =	swait.ge [sflag:s4], $0xC400  }
0x6d: {  	[sflag:s4] =	ssyncset.done $0x0  }
0x6e: {  	[sflag:s4] =	ssyncadd.s32 $0xFFFF3C00  }
0x6f: {  	[tilespmem:s8], [sflag:$0x1] =	stream.indirect.gather [spmem:s1], $0x20, s18, s9, $0xb8;
	[tilespmem:$0x1EA40] =	vst v63  }
0x70: {  	_ =	swait.ge [sflag:s7], $0xC400  }
0x71: {  	[sflag:s7] =	ssyncset.done $0x0  }
0x72: {  	s0 =	rddreg [dreg:$0xf];
	[sflag:s7] =	ssyncadd.s32 $0xFFFF3C00  }
0x73: {  	[hbm4b:s0+s2] =	stream.linear.scatter [tilespmem:s8], [sflag:$0x3], $0xC400, $0x38;
	[tilespmem:$0x1EA40] =	vst v63  }
0x74: {  	_ =	swait.ge [sflag:s5], $0xC400  }
0x75: {  	[sflag:s5] =	ssyncset.done $0x0  }
0x76: {  	[sflag:s5] =	ssyncadd.s32 $0xFFFF3C00  }
0x77: {  	[tilespmem:s11], [sflag:$0x1] =	stream.indirect.gather [spmem:s1], $0x20, s17, s9, $0xb8;
	[tilespmem:$0x1EA40] =	vst v63  }
0x78: {  	_ =	swait.ge [sflag:s7], $0xC400  }
0x79: {  	[sflag:s7] =	ssyncset.done $0x0  }
0x7a: {  	s0 =	rddreg [dreg:$0x10];
	[sflag:s7] =	ssyncadd.s32 $0xFFFF3C00  }
0x7b: {  	[hbm4b:s0+s2] =	stream.linear.scatter [tilespmem:s11], [sflag:$0x2], $0xC400, $0x38;
	[tilespmem:$0x1EA40] =	vst v63  }
0x7c: {  	_ =	swait.ge [sflag:s4], $0xC400  }
0x7d: {  	[sflag:s4] =	ssyncset.done $0x0  }
0x7e: {  	[sflag:s4] =	ssyncadd.s32 $0xFFFF3C00  }
0x7f: {  	[tilespmem:s8], [sflag:$0x1] =	stream.indirect.gather [spmem:s1], $0x20, s16, s9, $0xb8;
	[tilespmem:$0x1EA40] =	vst v63  }
0x80: {  	_ =	swait.ge [sflag:s7], $0xC400  }
0x81: {  	[sflag:s7] =	ssyncset.done $0x0  }
0x82: {  	s0 =	rddreg [dreg:$0x11];
	[sflag:s7] =	ssyncadd.s32 $0xFFFF3C00  }
0x83: {  	[hbm4b:s0+s2] =	stream.linear.scatter [tilespmem:s8], [sflag:$0x3], $0xC400, $0x38;
	[tilespmem:$0x1EA40] =	vst v63  }
0x84: {  	_ =	swait.ge [sflag:s5], $0xC400  }
0x85: {  	[sflag:s5] =	ssyncset.done $0x0  }
0x86: {  	[sflag:s5] =	ssyncadd.s32 $0xFFFF3C00  }
0x87: {  	[tilespmem:s11], [sflag:$0x1] =	stream.indirect.gather [spmem:s1], $0x20, s15, s9, $0xb8;
	[tilespmem:$0x1EA40] =	vst v63  }
0x88: {  	_ =	swait.ge [sflag:s7], $0xC400  }
0x89: {  	[sflag:s7] =	ssyncset.done $0x0  }
0x8a: {  	s0 =	rddreg [dreg:$0x12];
	[sflag:s7] =	ssyncadd.s32 $0xFFFF3C00  }
0x8b: {  	[hbm4b:s0+s2] =	stream.linear.scatter [tilespmem:s11], [sflag:$0x2], $0xC400, $0x38;
	[tilespmem:$0x1EA40] =	vst v63  }
0x8c: {  	_ =	swait.ge [sflag:s4], $0xC400  }
0x8d: {  	[sflag:s4] =	ssyncset.done $0x0  }
0x8e: {  	[sflag:s4] =	ssyncadd.s32 $0xFFFF3C00  }
0x8f: {  	[tilespmem:s8], [sflag:$0x1] =	stream.indirect.gather [spmem:s1], $0x20, s14, s9, $0xb8;
	[tilespmem:$0x1EA40] =	vst v63  }
0x90: {  	_ =	swait.ge [sflag:s7], $0xC400  }
0x91: {  	[sflag:s7] =	ssyncset.done $0x0  }
0x92: {  	[sflag:s7] =	ssyncadd.s32 $0xFFFF3C00  }
0x93: {  	[hbm4b:s10+s2] =	stream.linear.scatter [tilespmem:s8], [sflag:$0x3], $0xC400, $0x38;
	[tilespmem:$0x1EA40] =	vst v63  }
0x94: {  	_ =	swait.ge [sflag:s5], $0xC400  }
0x95: {  	[sflag:s5] =	ssyncset.done $0x0  }
0x96: {  	[sflag:s5] =	ssyncadd.s32 $0xFFFF3C00  }
0x97: {  	[tilespmem:s11], [sflag:$0x1] =	stream.indirect.gather [spmem:s1], $0x20, s13, s9, $0xb8;
	[tilespmem:$0x1EA40] =	vst v63  }
0x98: {  	_ =	swait.ge [sflag:s7], $0xC400  }
0x99: {  	[sflag:s7] =	ssyncset.done $0x0  }
0x9a: {  	[sflag:s7] =	ssyncadd.s32 $0xFFFF3C00  }
0x9b: {  	[hbm4b:s6+s2] =	stream.linear.scatter [tilespmem:s11], [sflag:$0x2], $0xC400, $0x38;
	[tilespmem:$0x1EA40] =	vst v63  }
0x9c: {  	_ =	swait.ge [sflag:s4], $0xC400  }
0x9d: {  	[sflag:s4] =	ssyncset.done $0x0  }
0x9e: {  	[sflag:s4] =	ssyncadd.s32 $0xFFFF3C00  }
0x9f: {  	[tilespmem:s8], [sflag:$0x1] =	stream.indirect.gather [spmem:s1], $0x20, s12, s9, $0xb8;
	[tilespmem:$0x1EA40] =	vst v63  }
0xa0: {  	_ =	swait.ge [sflag:s7], $0xC400  }
0xa1: {  	s31 =	sadd.s32 $0xFFFFFFFF, s31;
	[sflag:s7] =	ssyncset.done $0x0  }
0xa2: {  	p2 =	sne.s32 s31, $0x0;
	[sflag:s7] =	ssyncadd.s32 $0xFFFF3C00  }
0xa3: {  	[hbm4b:s3+s2] =	stream.linear.scatter [tilespmem:s8], [sflag:$0x3], $0xC400, $0x38;
	[tilespmem:$0x1EA40] =	vst v63  }
.Ltmp1:
0xa4: {  	_ =	swait.ge [sflag:s5], $0xC400;
	(pc) =	sbr.rel @!p2 .LBB2_2-.Ltmp1, $4  }
0xa5: {  	[sflag:s5] =	ssyncset.done $0x0  }
0xa6: {  	[sflag:s5] =	ssyncadd.s32 $0xFFFF3C00  }
0xa7: {  	_ =	swait.ge [sflag:s4], $0xC400  }
0xa8: {  	p1 =	por $0x1, $0x1;
	s0 =	rddreg [dreg:$0x4];
	[sflag:s4] =	ssyncset.done $0x0  }
.LBB2_3:
0xa9: {  	[sflag:s4] =	ssyncadd.s32 $0xFFFF3C00  }
0xaa: {  	[spmem:s28], [sflag:s29] =	dma.local @!p0 [hbm:s0], $0x80  }
0xab: {  	_ =	swait.ge @!p0 [sflag:s30], $0x80  }
0xac: {  	[sflag:s30] =	ssyncset.done @!p0 $0x0  }
0xad: {  	[sflag:s30] =	ssyncadd.s32 @!p0 $0xFFFFFF80  }
0xae: {  	[bflag:$0x0] =	sbarrier.arrive $0xFFFF  }
0xaf: {  	s0 =	rddreg [dreg:$0x5]  }
0xb0: {  	[tilespmem:s2], [sflag:$0x4] =	stream.linear.gather [hbm4b:s0+s2], $0x6200, $0x38;
	[tilespmem:$0x1EA40] =	vst v63  }
0xb1: {  	_ =	swait.ge [sflag:s26], $0x6200  }
0xb2: {  	[sflag:s26] =	ssyncset.done $0x0  }
0xb3: {  	[sflag:s26] =	ssyncadd.s32 $0xFFFF9E00  }
0xb4: {  	[tilespmem:s11], [sflag:$0x1] =	stream.indirect.gather [spmem:s1], $0x20, s2, s9, $0xb8;
	[tilespmem:$0x1EA40] =	vst v63  }
0xb5: {  	_ =	swait.ge [sflag:s7], $0xC400  }
0xb6: {  	[sflag:s7] =	ssyncset.done $0x0  }
0xb7: {  	s0 =	rddreg [dreg:$0x6];
	[sflag:s7] =	ssyncadd.s32 $0xFFFF3C00  }
0xb8: {  	[hbm4b:s0+s2] =	stream.linear.scatter [tilespmem:s11], [sflag:$0x2], $0xC400, $0x38;
	[tilespmem:$0x1EA40] =	vst v63  }
0xb9: {  	_ = 	snop  }
0xba: {  	[tilespmem:s8], [sflag:$0x1] =	stream.indirect.gather [spmem:s1], $0x20, s9, s9, $0xb8;
	[tilespmem:$0x1EA40] =	vst v63  }
0xbb: {  	_ =	swait.ge [sflag:s7], $0xC400  }
0xbc: {  	[sflag:s7] =	ssyncset.done $0x0  }
0xbd: {  	s0 =	rddreg [dreg:$0x7];
	[sflag:s7] =	ssyncadd.s32 $0xFFFF3C00  }
0xbe: {  	[hbm4b:s0+s2] =	stream.linear.scatter [tilespmem:s8], [sflag:$0x3], $0xC400, $0x38;
	[tilespmem:$0x1EA40] =	vst v63  }
0xbf: {  	_ =	swait.ge [sflag:s5], $0xC400  }
0xc0: {  	[sflag:s5] =	ssyncset.done $0x0  }
0xc1: {  	[sflag:s5] =	ssyncadd.s32 $0xFFFF3C00  }
0xc2: {  	[tilespmem:s11], [sflag:$0x1] =	stream.indirect.gather [spmem:s1], $0x20, s25, s9, $0xb8;
	[tilespmem:$0x1EA40] =	vst v63  }
0xc3: {  	_ =	swait.ge [sflag:s7], $0xC400  }
0xc4: {  	[sflag:s7] =	ssyncset.done $0x0  }
0xc5: {  	s0 =	rddreg [dreg:$0x8];
	[sflag:s7] =	ssyncadd.s32 $0xFFFF3C00  }
0xc6: {  	[hbm4b:s0+s2] =	stream.linear.scatter [tilespmem:s11], [sflag:$0x2], $0xC400, $0x38;
	[tilespmem:$0x1EA40] =	vst v63  }
0xc7: {  	_ =	swait.ge [sflag:s4], $0xC400  }
0xc8: {  	[sflag:s4] =	ssyncset.done $0x0  }
0xc9: {  	[sflag:s4] =	ssyncadd.s32 $0xFFFF3C00  }
0xca: {  	[tilespmem:s8], [sflag:$0x1] =	stream.indirect.gather [spmem:s1], $0x20, s24, s9, $0xb8;
	[tilespmem:$0x1EA40] =	vst v63  }
0xcb: {  	_ =	swait.ge [sflag:s7], $0xC400  }
0xcc: {  	[sflag:s7] =	ssyncset.done $0x0  }
0xcd: {  	s0 =	rddreg [dreg:$0x9];
	[sflag:s7] =	ssyncadd.s32 $0xFFFF3C00  }
0xce: {  	[hbm4b:s0+s2] =	stream.linear.scatter [tilespmem:s8], [sflag:$0x3], $0xC400, $0x38;
	[tilespmem:$0x1EA40] =	vst v63  }
0xcf: {  	_ =	swait.ge [sflag:s5], $0xC400  }
0xd0: {  	[sflag:s5] =	ssyncset.done $0x0  }
0xd1: {  	[sflag:s5] =	ssyncadd.s32 $0xFFFF3C00  }
0xd2: {  	[tilespmem:s11], [sflag:$0x1] =	stream.indirect.gather [spmem:s1], $0x20, s23, s9, $0xb8;
	[tilespmem:$0x1EA40] =	vst v63  }
0xd3: {  	_ =	swait.ge [sflag:s7], $0xC400  }
0xd4: {  	[sflag:s7] =	ssyncset.done $0x0  }
0xd5: {  	s0 =	rddreg [dreg:$0xa];
	[sflag:s7] =	ssyncadd.s32 $0xFFFF3C00  }
0xd6: {  	[hbm4b:s0+s2] =	stream.linear.scatter [tilespmem:s11], [sflag:$0x2], $0xC400, $0x38;
	[tilespmem:$0x1EA40] =	vst v63  }
0xd7: {  	_ =	swait.ge [sflag:s4], $0xC400  }
0xd8: {  	[sflag:s4] =	ssyncset.done $0x0  }
0xd9: {  	[sflag:s4] =	ssyncadd.s32 $0xFFFF3C00  }
0xda: {  	[tilespmem:s8], [sflag:$0x1] =	stream.indirect.gather [spmem:s1], $0x20, s22, s9, $0xb8;
	[tilespmem:$0x1EA40] =	vst v63  }
0xdb: {  	_ =	swait.ge [sflag:s7], $0xC400  }
0xdc: {  	[sflag:s7] =	ssyncset.done $0x0  }
0xdd: {  	s0 =	rddreg [dreg:$0xb];
	[sflag:s7] =	ssyncadd.s32 $0xFFFF3C00  }
0xde: {  	[hbm4b:s0+s2] =	stream.linear.scatter [tilespmem:s8], [sflag:$0x3], $0xC400, $0x38;
	[tilespmem:$0x1EA40] =	vst v63  }
0xdf: {  	_ =	swait.ge [sflag:s5], $0xC400  }
0xe0: {  	[sflag:s5] =	ssyncset.done $0x0  }
0xe1: {  	[sflag:s5] =	ssyncadd.s32 $0xFFFF3C00  }
0xe2: {  	[tilespmem:s11], [sflag:$0x1] =	stream.indirect.gather [spmem:s1], $0x20, s21, s9, $0xb8;
	[tilespmem:$0x1EA40] =	vst v63  }
0xe3: {  	_ =	swait.ge [sflag:s7], $0xC400  }
0xe4: {  	[sflag:s7] =	ssyncset.done $0x0  }
0xe5: {  	s0 =	rddreg [dreg:$0xc];
	[sflag:s7] =	ssyncadd.s32 $0xFFFF3C00  }
0xe6: {  	[hbm4b:s0+s2] =	stream.linear.scatter [tilespmem:s11], [sflag:$0x2], $0xC400, $0x38;
	[tilespmem:$0x1EA40] =	vst v63  }
0xe7: {  	_ =	swait.ge [sflag:s4], $0xC400  }
0xe8: {  	[sflag:s4] =	ssyncset.done $0x0  }
0xe9: {  	[sflag:s4] =	ssyncadd.s32 $0xFFFF3C00  }
0xea: {  	[tilespmem:s8], [sflag:$0x1] =	stream.indirect.gather [spmem:s1], $0x20, s20, s9, $0xb8;
	[tilespmem:$0x1EA40] =	vst v63  }
0xeb: {  	_ =	swait.ge [sflag:s7], $0xC400  }
0xec: {  	[sflag:s7] =	ssyncset.done $0x0  }
0xed: {  	s0 =	rddreg [dreg:$0xd];
	[sflag:s7] =	ssyncadd.s32 $0xFFFF3C00  }
0xee: {  	[hbm4b:s0+s2] =	stream.linear.scatter [tilespmem:s8], [sflag:$0x3], $0xC400, $0x38;
	[tilespmem:$0x1EA40] =	vst v63  }
0xef: {  	_ =	swait.ge [sflag:s5], $0xC400  }
0xf0: {  	[sflag:s5] =	ssyncset.done $0x0  }
0xf1: {  	[sflag:s5] =	ssyncadd.s32 $0xFFFF3C00  }
0xf2: {  	[tilespmem:s11], [sflag:$0x1] =	stream.indirect.gather [spmem:s1], $0x20, s19, s9, $0xb8;
	[tilespmem:$0x1EA40] =	vst v63  }
0xf3: {  	_ =	swait.ge [sflag:s7], $0xC400  }
0xf4: {  	[sflag:s7] =	ssyncset.done $0x0  }
0xf5: {  	s0 =	rddreg [dreg:$0xe];
	[sflag:s7] =	ssyncadd.s32 $0xFFFF3C00  }
0xf6: {  	[hbm4b:s0+s2] =	stream.linear.scatter [tilespmem:s11], [sflag:$0x2], $0xC400, $0x38;
	[tilespmem:$0x1EA40] =	vst v63  }
0xf7: {  	_ =	swait.ge [sflag:s4], $0xC400  }
0xf8: {  	[sflag:s4] =	ssyncset.done $0x0  }
0xf9: {  	[sflag:s4] =	ssyncadd.s32 $0xFFFF3C00  }
0xfa: {  	[tilespmem:s8], [sflag:$0x1] =	stream.indirect.gather [spmem:s1], $0x20, s18, s9, $0xb8;
	[tilespmem:$0x1EA40] =	vst v63  }
0xfb: {  	_ =	swait.ge [sflag:s7], $0xC400  }
0xfc: {  	[sflag:s7] =	ssyncset.done $0x0  }
0xfd: {  	s0 =	rddreg [dreg:$0xf];
	[sflag:s7] =	ssyncadd.s32 $0xFFFF3C00  }
0xfe: {  	[hbm4b:s0+s2] =	stream.linear.scatter [tilespmem:s8], [sflag:$0x3], $0xC400, $0x38;
	[tilespmem:$0x1EA40] =	vst v63  }
0xff: {  	_ =	swait.ge [sflag:s5], $0xC400  }
0x100: {  	[sflag:s5] =	ssyncset.done $0x0  }
0x101: {  	[sflag:s5] =	ssyncadd.s32 $0xFFFF3C00  }
0x102: {  	[tilespmem:s11], [sflag:$0x1] =	stream.indirect.gather [spmem:s1], $0x20, s17, s9, $0xb8;
	[tilespmem:$0x1EA40] =	vst v63  }
0x103: {  	_ =	swait.ge [sflag:s7], $0xC400  }
0x104: {  	[sflag:s7] =	ssyncset.done $0x0  }
0x105: {  	s0 =	rddreg [dreg:$0x10];
	[sflag:s7] =	ssyncadd.s32 $0xFFFF3C00  }
0x106: {  	[hbm4b:s0+s2] =	stream.linear.scatter [tilespmem:s11], [sflag:$0x2], $0xC400, $0x38;
	[tilespmem:$0x1EA40] =	vst v63  }
0x107: {  	_ =	swait.ge [sflag:s4], $0xC400  }
0x108: {  	[sflag:s4] =	ssyncset.done $0x0  }
0x109: {  	[sflag:s4] =	ssyncadd.s32 $0xFFFF3C00  }
0x10a: {  	[tilespmem:s8], [sflag:$0x1] =	stream.indirect.gather [spmem:s1], $0x20, s16, s9, $0xb8;
	[tilespmem:$0x1EA40] =	vst v63  }
0x10b: {  	_ =	swait.ge [sflag:s7], $0xC400  }
0x10c: {  	[sflag:s7] =	ssyncset.done $0x0  }
0x10d: {  	s0 =	rddreg [dreg:$0x11];
	[sflag:s7] =	ssyncadd.s32 $0xFFFF3C00  }
0x10e: {  	[hbm4b:s0+s2] =	stream.linear.scatter [tilespmem:s8], [sflag:$0x3], $0xC400, $0x38;
	[tilespmem:$0x1EA40] =	vst v63  }
0x10f: {  	_ =	swait.ge [sflag:s5], $0xC400  }
0x110: {  	[sflag:s5] =	ssyncset.done $0x0  }
0x111: {  	[sflag:s5] =	ssyncadd.s32 $0xFFFF3C00  }
0x112: {  	[tilespmem:s11], [sflag:$0x1] =	stream.indirect.gather [spmem:s1], $0x20, s15, s9, $0xb8;
	[tilespmem:$0x1EA40] =	vst v63  }
0x113: {  	_ =	swait.ge [sflag:s7], $0xC400  }
0x114: {  	[sflag:s7] =	ssyncset.done $0x0  }
0x115: {  	s0 =	rddreg [dreg:$0x12];
	[sflag:s7] =	ssyncadd.s32 $0xFFFF3C00  }
0x116: {  	[hbm4b:s0+s2] =	stream.linear.scatter [tilespmem:s11], [sflag:$0x2], $0xC400, $0x38;
	[tilespmem:$0x1EA40] =	vst v63  }
0x117: {  	_ =	swait.ge [sflag:s4], $0xC400  }
0x118: {  	[sflag:s4] =	ssyncset.done $0x0  }
0x119: {  	[sflag:s4] =	ssyncadd.s32 $0xFFFF3C00  }
0x11a: {  	[tilespmem:s8], [sflag:$0x1] =	stream.indirect.gather [spmem:s1], $0x20, s14, s9, $0xb8;
	[tilespmem:$0x1EA40] =	vst v63  }
0x11b: {  	_ =	swait.ge [sflag:s7], $0xC400  }
0x11c: {  	[sflag:s7] =	ssyncset.done $0x0  }
0x11d: {  	[sflag:s7] =	ssyncadd.s32 $0xFFFF3C00  }
0x11e: {  	[hbm4b:s10+s2] =	stream.linear.scatter [tilespmem:s8], [sflag:$0x3], $0xC400, $0x38;
	[tilespmem:$0x1EA40] =	vst v63  }
0x11f: {  	_ =	swait.ge [sflag:s5], $0xC400  }
0x120: {  	[sflag:s5] =	ssyncset.done $0x0  }
0x121: {  	[sflag:s5] =	ssyncadd.s32 $0xFFFF3C00  }
0x122: {  	[tilespmem:s11], [sflag:$0x1] =	stream.indirect.gather [spmem:s1], $0x20, s13, s9, $0xb8;
	[tilespmem:$0x1EA40] =	vst v63  }
0x123: {  	_ =	swait.ge [sflag:s7], $0xC400  }
0x124: {  	[sflag:s7] =	ssyncset.done $0x0  }
0x125: {  	[sflag:s7] =	ssyncadd.s32 $0xFFFF3C00  }
0x126: {  	[hbm4b:s6+s2] =	stream.linear.scatter [tilespmem:s11], [sflag:$0x2], $0xC400, $0x38;
	[tilespmem:$0x1EA40] =	vst v63  }
0x127: {  	_ =	swait.ge [sflag:s4], $0xC400  }
0x128: {  	[sflag:s4] =	ssyncset.done $0x0  }
0x129: {  	[sflag:s4] =	ssyncadd.s32 $0xFFFF3C00  }
0x12a: {  	[tilespmem:s8], [sflag:$0x1] =	stream.indirect.gather [spmem:s1], $0x20, s12, s9, $0xb8;
	[tilespmem:$0x1EA40] =	vst v63  }
0x12b: {  	_ =	swait.ge [sflag:s7], $0xC400  }
0x12c: {  	s31 =	sadd.s32 $0xFFFFFFFF, s31;
	[sflag:s7] =	ssyncset.done $0x0  }
0x12d: {  	p2 =	sne.s32 s31, $0x0;
	[sflag:s7] =	ssyncadd.s32 $0xFFFF3C00  }
0x12e: {  	[hbm4b:s3+s2] =	stream.linear.scatter [tilespmem:s8], [sflag:$0x3], $0xC400, $0x38;
	[tilespmem:$0x1EA40] =	vst v63  }
.Ltmp2:
0x12f: {  	_ =	swait.ge [sflag:s5], $0xC400;
	(pc) =	sbr.rel @p2 .LBB2_3-.Ltmp2, $4  }
0x130: {  	[sflag:s5] =	ssyncset.done $0x0  }
0x131: {  	[sflag:s5] =	ssyncadd.s32 $0xFFFF3C00  }
0x132: {  	_ =	swait.ge [sflag:s4], $0xC400  }
0x133: {  	s0 =	rddreg [dreg:$0x4];
	[sflag:s4] =	ssyncset.done $0x0  }
0x134: {  	s30 =	rddreg [dreg:$0x3]  }
.LBB2_5:
0x135: {  	[sflag:s4] =	ssyncadd.s32 @p1 $0xFFFF3C00;
	s29 =	simm.s32 @!p0 $0x1C04  }
0x136: {  	[spmem:s28], [sflag:s29] =	dma.local @!p0 [hbm:s0], $0x80  }
0x137: {  	s0 =	simm.s32 @!p0 $0x4  }
0x138: {  	_ =	swait.ge @!p0 [sflag:s0], $0x80  }
0x139: {  	[sflag:s0] =	ssyncset.done @!p0 $0x0  }
0x13a: {  	[sflag:s0] =	ssyncadd.s32 @!p0 $0xFFFFFF80  }
0x13b: {  	[bflag:$0x0] =	sbarrier.arrive $0xFFFF  }
0x13c: {  	s29 =	rddreg [dreg:$0x5]  }
0x13d: {  	[tilespmem:s2], [sflag:$0x4] =	stream.linear.gather [hbm4b:s29+s2], $0x6200, $0x38;
	[tilespmem:$0x1EA40] =	vst v63  }
0x13e: {  	_ =	swait.ge [sflag:s26], $0x6200  }
0x13f: {  	[sflag:s26] =	ssyncset.done $0x0  }
0x140: {  	[sflag:s26] =	ssyncadd.s32 $0xFFFF9E00  }
0x141: {  	[tilespmem:s11], [sflag:$0x1] =	stream.indirect.gather [spmem:s1], $0x20, s2, s9, $0xb8;
	[tilespmem:$0x1EA40] =	vst v63  }
0x142: {  	_ =	swait.ge [sflag:s7], $0xC400  }
0x143: {  	[sflag:s7] =	ssyncset.done $0x0  }
0x144: {  	s31 =	rddreg [dreg:$0x6];
	[sflag:s7] =	ssyncadd.s32 $0xFFFF3C00  }
0x145: {  	[hbm4b:s31+s2] =	stream.linear.scatter [tilespmem:s11], [sflag:$0x2], $0xC400, $0x38;
	[tilespmem:$0x1EA40] =	vst v63  }
0x146: {  	_ = 	snop  }
0x147: {  	[tilespmem:s8], [sflag:$0x1] =	stream.indirect.gather [spmem:s1], $0x20, s9, s9, $0xb8;
	[tilespmem:$0x1EA40] =	vst v63  }
0x148: {  	_ =	swait.ge [sflag:s7], $0xC400  }
0x149: {  	[sflag:s7] =	ssyncset.done $0x0  }
0x14a: {  	s26 =	rddreg [dreg:$0x7];
	[sflag:s7] =	ssyncadd.s32 $0xFFFF3C00  }
0x14b: {  	[hbm4b:s26+s2] =	stream.linear.scatter [tilespmem:s8], [sflag:$0x3], $0xC400, $0x38;
	[tilespmem:$0x1EA40] =	vst v63  }
0x14c: {  	_ =	swait.ge [sflag:s5], $0xC400  }
0x14d: {  	[sflag:s5] =	ssyncset.done $0x0  }
0x14e: {  	[sflag:s5] =	ssyncadd.s32 $0xFFFF3C00  }
0x14f: {  	[tilespmem:s11], [sflag:$0x1] =	stream.indirect.gather [spmem:s1], $0x20, s25, s9, $0xb8;
	[tilespmem:$0x1EA40] =	vst v63  }
0x150: {  	_ =	swait.ge [sflag:s7], $0xC400  }
0x151: {  	[sflag:s7] =	ssyncset.done $0x0  }
0x152: {  	s28 =	rddreg [dreg:$0x8];
	[sflag:s7] =	ssyncadd.s32 $0xFFFF3C00  }
0x153: {  	[hbm4b:s28+s2] =	stream.linear.scatter [tilespmem:s11], [sflag:$0x2], $0xC400, $0x38;
	[tilespmem:$0x1EA40] =	vst v63  }
0x154: {  	_ =	swait.ge [sflag:s4], $0xC400  }
0x155: {  	[sflag:s4] =	ssyncset.done $0x0  }
0x156: {  	[sflag:s4] =	ssyncadd.s32 $0xFFFF3C00  }
0x157: {  	[tilespmem:s8], [sflag:$0x1] =	stream.indirect.gather [spmem:s1], $0x20, s24, s9, $0xb8;
	[tilespmem:$0x1EA40] =	vst v63  }
0x158: {  	_ =	swait.ge [sflag:s7], $0xC400  }
0x159: {  	[sflag:s7] =	ssyncset.done $0x0  }
0x15a: {  	s29 =	rddreg [dreg:$0x9];
	[sflag:s7] =	ssyncadd.s32 $0xFFFF3C00  }
0x15b: {  	[hbm4b:s29+s2] =	stream.linear.scatter [tilespmem:s8], [sflag:$0x3], $0xC400, $0x38;
	[tilespmem:$0x1EA40] =	vst v63  }
0x15c: {  	_ =	swait.ge [sflag:s5], $0xC400  }
0x15d: {  	[sflag:s5] =	ssyncset.done $0x0  }
0x15e: {  	[sflag:s5] =	ssyncadd.s32 $0xFFFF3C00  }
0x15f: {  	[tilespmem:s11], [sflag:$0x1] =	stream.indirect.gather [spmem:s1], $0x20, s23, s9, $0xb8;
	[tilespmem:$0x1EA40] =	vst v63  }
0x160: {  	_ =	swait.ge [sflag:s7], $0xC400  }
0x161: {  	[sflag:s7] =	ssyncset.done $0x0  }
0x162: {  	s31 =	rddreg [dreg:$0xa];
	[sflag:s7] =	ssyncadd.s32 $0xFFFF3C00  }
0x163: {  	[hbm4b:s31+s2] =	stream.linear.scatter [tilespmem:s11], [sflag:$0x2], $0xC400, $0x38;
	[tilespmem:$0x1EA40] =	vst v63  }
0x164: {  	_ =	swait.ge [sflag:s4], $0xC400  }
0x165: {  	[sflag:s4] =	ssyncset.done $0x0  }
0x166: {  	[sflag:s4] =	ssyncadd.s32 $0xFFFF3C00  }
0x167: {  	[tilespmem:s8], [sflag:$0x1] =	stream.indirect.gather [spmem:s1], $0x20, s22, s9, $0xb8;
	[tilespmem:$0x1EA40] =	vst v63  }
0x168: {  	_ =	swait.ge [sflag:s7], $0xC400  }
0x169: {  	[sflag:s7] =	ssyncset.done $0x0  }
0x16a: {  	s22 =	rddreg [dreg:$0xb];
	[sflag:s7] =	ssyncadd.s32 $0xFFFF3C00  }
0x16b: {  	[hbm4b:s22+s2] =	stream.linear.scatter [tilespmem:s8], [sflag:$0x3], $0xC400, $0x38;
	[tilespmem:$0x1EA40] =	vst v63  }
0x16c: {  	_ =	swait.ge [sflag:s5], $0xC400  }
0x16d: {  	[sflag:s5] =	ssyncset.done $0x0  }
0x16e: {  	[sflag:s5] =	ssyncadd.s32 $0xFFFF3C00  }
0x16f: {  	[tilespmem:s11], [sflag:$0x1] =	stream.indirect.gather [spmem:s1], $0x20, s21, s9, $0xb8;
	[tilespmem:$0x1EA40] =	vst v63  }
0x170: {  	_ =	swait.ge [sflag:s7], $0xC400  }
0x171: {  	[sflag:s7] =	ssyncset.done $0x0  }
0x172: {  	s23 =	rddreg [dreg:$0xc];
	[sflag:s7] =	ssyncadd.s32 $0xFFFF3C00  }
0x173: {  	[hbm4b:s23+s2] =	stream.linear.scatter [tilespmem:s11], [sflag:$0x2], $0xC400, $0x38;
	[tilespmem:$0x1EA40] =	vst v63  }
0x174: {  	_ =	swait.ge [sflag:s4], $0xC400  }
0x175: {  	[sflag:s4] =	ssyncset.done $0x0  }
0x176: {  	[sflag:s4] =	ssyncadd.s32 $0xFFFF3C00  }
0x177: {  	[tilespmem:s8], [sflag:$0x1] =	stream.indirect.gather [spmem:s1], $0x20, s20, s9, $0xb8;
	[tilespmem:$0x1EA40] =	vst v63  }
0x178: {  	_ =	swait.ge [sflag:s7], $0xC400  }
0x179: {  	[sflag:s7] =	ssyncset.done $0x0  }
0x17a: {  	s24 =	rddreg [dreg:$0xd];
	[sflag:s7] =	ssyncadd.s32 $0xFFFF3C00  }
0x17b: {  	[hbm4b:s24+s2] =	stream.linear.scatter [tilespmem:s8], [sflag:$0x3], $0xC400, $0x38;
	[tilespmem:$0x1EA40] =	vst v63  }
0x17c: {  	_ =	swait.ge [sflag:s5], $0xC400  }
0x17d: {  	[sflag:s5] =	ssyncset.done $0x0  }
0x17e: {  	[sflag:s5] =	ssyncadd.s32 $0xFFFF3C00  }
0x17f: {  	[tilespmem:s11], [sflag:$0x1] =	stream.indirect.gather [spmem:s1], $0x20, s19, s9, $0xb8;
	[tilespmem:$0x1EA40] =	vst v63  }
0x180: {  	_ =	swait.ge [sflag:s7], $0xC400  }
0x181: {  	[sflag:s7] =	ssyncset.done $0x0  }
0x182: {  	s25 =	rddreg [dreg:$0xe];
	[sflag:s7] =	ssyncadd.s32 $0xFFFF3C00  }
0x183: {  	[hbm4b:s25+s2] =	stream.linear.scatter [tilespmem:s11], [sflag:$0x2], $0xC400, $0x38;
	[tilespmem:$0x1EA40] =	vst v63  }
0x184: {  	_ =	swait.ge [sflag:s4], $0xC400  }
0x185: {  	[sflag:s4] =	ssyncset.done $0x0  }
0x186: {  	[sflag:s4] =	ssyncadd.s32 $0xFFFF3C00  }
0x187: {  	[tilespmem:s8], [sflag:$0x1] =	stream.indirect.gather [spmem:s1], $0x20, s18, s9, $0xb8;
	[tilespmem:$0x1EA40] =	vst v63  }
0x188: {  	_ =	swait.ge [sflag:s7], $0xC400  }
0x189: {  	[sflag:s7] =	ssyncset.done $0x0  }
0x18a: {  	s26 =	rddreg [dreg:$0xf];
	[sflag:s7] =	ssyncadd.s32 $0xFFFF3C00  }
0x18b: {  	[hbm4b:s26+s2] =	stream.linear.scatter [tilespmem:s8], [sflag:$0x3], $0xC400, $0x38;
	[tilespmem:$0x1EA40] =	vst v63  }
0x18c: {  	_ =	swait.ge [sflag:s5], $0xC400  }
0x18d: {  	[sflag:s5] =	ssyncset.done $0x0  }
0x18e: {  	[sflag:s5] =	ssyncadd.s32 $0xFFFF3C00  }
0x18f: {  	[tilespmem:s11], [sflag:$0x1] =	stream.indirect.gather [spmem:s1], $0x20, s17, s9, $0xb8;
	[tilespmem:$0x1EA40] =	vst v63  }
0x190: {  	_ =	swait.ge [sflag:s7], $0xC400  }
0x191: {  	[sflag:s7] =	ssyncset.done $0x0  }
0x192: {  	s28 =	rddreg [dreg:$0x10];
	[sflag:s7] =	ssyncadd.s32 $0xFFFF3C00  }
0x193: {  	[hbm4b:s28+s2] =	stream.linear.scatter [tilespmem:s11], [sflag:$0x2], $0xC400, $0x38;
	[tilespmem:$0x1EA40] =	vst v63  }
0x194: {  	_ =	swait.ge [sflag:s4], $0xC400  }
0x195: {  	[sflag:s4] =	ssyncset.done $0x0  }
0x196: {  	[sflag:s4] =	ssyncadd.s32 $0xFFFF3C00  }
0x197: {  	[tilespmem:s8], [sflag:$0x1] =	stream.indirect.gather [spmem:s1], $0x20, s16, s9, $0xb8;
	[tilespmem:$0x1EA40] =	vst v63  }
0x198: {  	_ =	swait.ge [sflag:s7], $0xC400  }
0x199: {  	[sflag:s7] =	ssyncset.done $0x0  }
0x19a: {  	s29 =	rddreg [dreg:$0x11];
	[sflag:s7] =	ssyncadd.s32 $0xFFFF3C00  }
0x19b: {  	[hbm4b:s29+s2] =	stream.linear.scatter [tilespmem:s8], [sflag:$0x3], $0xC400, $0x38;
	[tilespmem:$0x1EA40] =	vst v63  }
0x19c: {  	_ =	swait.ge [sflag:s5], $0xC400  }
0x19d: {  	[sflag:s5] =	ssyncset.done $0x0  }
0x19e: {  	[sflag:s5] =	ssyncadd.s32 $0xFFFF3C00  }
0x19f: {  	[tilespmem:s11], [sflag:$0x1] =	stream.indirect.gather [spmem:s1], $0x20, s15, s9, $0xb8;
	[tilespmem:$0x1EA40] =	vst v63  }
0x1a0: {  	_ =	swait.ge [sflag:s7], $0xC400  }
0x1a1: {  	[sflag:s7] =	ssyncset.done $0x0  }
0x1a2: {  	s31 =	rddreg [dreg:$0x12];
	[sflag:s7] =	ssyncadd.s32 $0xFFFF3C00  }
0x1a3: {  	[hbm4b:s31+s2] =	stream.linear.scatter [tilespmem:s11], [sflag:$0x2], $0xC400, $0x38;
	[tilespmem:$0x1EA40] =	vst v63  }
0x1a4: {  	_ =	swait.ge [sflag:s4], $0xC400  }
0x1a5: {  	[sflag:s4] =	ssyncset.done $0x0  }
0x1a6: {  	[sflag:s4] =	ssyncadd.s32 $0xFFFF3C00  }
0x1a7: {  	[tilespmem:s8], [sflag:$0x1] =	stream.indirect.gather [spmem:s1], $0x20, s14, s9, $0xb8;
	[tilespmem:$0x1EA40] =	vst v63  }
0x1a8: {  	_ =	swait.ge [sflag:s7], $0xC400  }
0x1a9: {  	[sflag:s7] =	ssyncset.done $0x0  }
0x1aa: {  	[sflag:s7] =	ssyncadd.s32 $0xFFFF3C00  }
0x1ab: {  	[hbm4b:s10+s2] =	stream.linear.scatter [tilespmem:s8], [sflag:$0x3], $0xC400, $0x38;
	[tilespmem:$0x1EA40] =	vst v63  }
0x1ac: {  	_ =	swait.ge [sflag:s5], $0xC400  }
0x1ad: {  	[sflag:s5] =	ssyncset.done $0x0  }
0x1ae: {  	[sflag:s5] =	ssyncadd.s32 $0xFFFF3C00  }
0x1af: {  	[tilespmem:s11], [sflag:$0x1] =	stream.indirect.gather [spmem:s1], $0x20, s13, s9, $0xb8;
	[tilespmem:$0x1EA40] =	vst v63  }
0x1b0: {  	_ =	swait.ge [sflag:s7], $0xC400  }
0x1b1: {  	[sflag:s7] =	ssyncset.done $0x0  }
0x1b2: {  	[sflag:s7] =	ssyncadd.s32 $0xFFFF3C00  }
0x1b3: {  	[hbm4b:s6+s2] =	stream.linear.scatter [tilespmem:s11], [sflag:$0x2], $0xC400, $0x38;
	[tilespmem:$0x1EA40] =	vst v63  }
0x1b4: {  	_ =	swait.ge [sflag:s4], $0xC400  }
0x1b5: {  	[sflag:s4] =	ssyncset.done $0x0  }
0x1b6: {  	[sflag:s4] =	ssyncadd.s32 $0xFFFF3C00  }
0x1b7: {  	[tilespmem:s8], [sflag:$0x1] =	stream.indirect.gather [spmem:s1], $0x20, s12, s9, $0xb8;
	[tilespmem:$0x1EA40] =	vst v63  }
0x1b8: {  	_ =	swait.ge [sflag:s7], $0xC400  }
0x1b9: {  	[sflag:s7] =	ssyncset.done $0x0  }
0x1ba: {  	[sflag:s7] =	ssyncadd.s32 $0xFFFF3C00  }
0x1bb: {  	[hbm4b:s3+s2] =	stream.linear.scatter [tilespmem:s8], [sflag:$0x3], $0xC400, $0x38;
	[tilespmem:$0x1EA40] =	vst v63  }
0x1bc: {  	_ =	swait.ge [sflag:s5], $0xC400  }
0x1bd: {  	[sflag:s5] =	ssyncset.done $0x0  }
0x1be: {  	[sflag:s5] =	ssyncadd.s32 $0xFFFF3C00  }
0x1bf: {  	_ =	swait.ge [sflag:s4], $0xC400  }
0x1c0: {  	[sflag:s4] =	ssyncset.done $0x0  }
0x1c1: {  	[sflag:s4] =	ssyncadd.s32 $0xFFFF3C00  }
0x1c2: {  	_ =	sfence.sel $0x180000  }
0x1c3: {  	[bflag:$0x0] =	sbarrier.arrive $0xFFFF  }
0x1c4: {  	_ =	strace $0x90000047  }
0x1c5: {  	s0 =	sadd.s32 @!p0 $0x100000, s30;
	[bflag:$0x2] =	sbarrier.arrive $0xFFFF  }
0x1c6: {  	[sflag:s0] =	ssyncadd.tile.s32 @!p0 $0x1;
	_ =	shalt  }
.LBB2_2:
.Ltmp3:
0x1c7: {  	(pc) =	sbr.rel .LBB2_5-.Ltmp3, $2  }
0x1c8: {  	_ =	sdelay $0x2  }
0x1c9: {  	s30 =	rddreg [dreg:$0x3]  }
.Lfunc_end2:
_tile_overlayer_lowered:
.L_overlay_start_2:
0x1ca: {  	(tag) =	ssettag $0x2  }
0x1cb: {  	s0 =	rddreg [dreg:$0x0];
	s2 =	stileid.u32  }
0x1cc: {  	s1 =	rddreg [dreg:$0x1];
	p0 =	sne.s32 s2, $0x0  }
0x1cd: {  	s3 =	rddreg [dreg:$0x2];
	[bflag:$0x3] =	sbarrier.arrive $0xFFFF;
	s2 =	simm.s32 @!p0 $0x1C04  }
0x1ce: {  	[timem:s3], [sflag:s2] =	dma.local @!p0 [hbm:s0], s1  }
0x1cf: {  	s0 =	simm.s32 @!p0 $0x4  }
0x1d0: {  	_ =	swait.ge @!p0 [sflag:s0], s1  }
0x1d1: {  	s1 =	ssub.s32 @!p0 $0x0, s1;
	[sflag:s0] =	ssyncset.done @!p0 $0x0  }
0x1d2: {  	[sflag:s0] =	ssyncadd.s32 @!p0 s1  }
0x1d3: {  	[bflag:$0x3] =	sbarrier.arrive $0xFFFF  }
0x1d4: {  	_ =	shalt  }

// kernel: sparse-core-data-format-call.cloned.1.call-start
scs
called_computation_lowered:
.L_overlay_start_0:
0x0: {  	s2 =	sld [smem:$0x3FD9]  }
0x1: {  	s3 =	sld [smem:$0x3FFE];
	_ =	sdelay $0x1  }
0x2: {  	s1 =	srdreg.scid  }
0x3: {  	s0 =	sand.u32 $0x1, s1  }
0x4: {  	s18 =	sshll.u32 s0, $0xA;
	s2 =	sadd.s32 s3, s2  }
0x5: {  	s2 =	sadd.s32 s2, s18  }
0x6: {  	[smem:$0x3FC5] =	sst s2  }
0x7: {  	_ = 	snop  }
0x8: {  	s2 =	sld [smem:$0x3FD0];
	(tm) =	ssettm $0x1  }
0x9: {  	s19 =	sld [smem:$0x3FFB];
	_ =	sdelay $0x3  }
0xa: {  	_ =	strace s19  }
0xb: {  	s3 =	sld [smem:$0x3FFC];
	_ =	sdelay $0x3  }
0xc: {  	_ =	strace s3  }
0xd: {  	s3 =	sld [smem:$0x3FFD];
	_ =	sdelay $0x3  }
0xe: {  	_ =	strace s3  }
0xf: {  	_ =	strace $0x8FFFFFFF  }
0x10: {  	s20 =	sld [smem:$0x3FDB];
	_ =	sdelay $0x1  }
0x11: {  	s4 =	simm.s32 $_scs_section_size  }
0x12: {  	s5 =	simm.s32 $_size__tile_overlayer_lowered;
	s6 =	simm.s32 $_tile_overlayer_lowered  }
0x13: {  	s23 =	simm.s32 $0x1BFF;
	s22 =	sshll.u32 s6, $0x1;
	s3 =	sadd.s32 s4, s20  }
0x14: {  	s7 =	simm.s32 $0x0;
	s21 =	sshll.u32 s5, $0x1;
	s5 =	sadd.s32 s22, s3  }
0x15: {  	[timem:s7], [sflag:s23] =	dma.local [hbm:s5], s21  }
0x16: {  	_ =	swait.ge [sflag:s23], s21  }
0x17: {  	s4 =	ssub.s32 $0x0, s21;
	[sflag:s23] =	ssyncset.done $0x0  }
0x18: {  	[sflag:s23] =	ssyncadd.s32 s4;
	_ =	sdelay $0x1  }
0x19: {  	s24 =	simm.s32 $0x1B8B  }
0x1a: {  	_ =	swait.ge [sflag:s24], $0x1  }
0x1b: {  	[sflag:s24] =	ssyncset.done $0x0  }
0x1c: {  	s26 =	simm.s32 $0x1B8E;
	s25 =	sld [smem:$0x3FFE];
	[sflag:s24] =	ssyncadd.s32 $0xFFFFFFFF  }
0x1d: {  	s27 =	simm.s32 $execute0_lowered;
	[smem:$0x3FD2] =	sst s26  }
0x1e: {  	s5 =	sshll.u32 s27, $0x1;
	_ =	strace $0x80000049;
	[dreg:$0x1] =	wrdreg $0xFFFFFFFF  }
0x1f: {  	s28 =	simm.s32 $_size_execute0_lowered;
	s3 =	sadd.s32 s3, s5;
	[dreg:$0x0] =	wrdreg $0x0  }
0x20: {  	s5 =	sshll.u32 s28, $0x1;
	[dreg:$0x2] =	wrdreg s3  }
0x21: {  	[dreg:$0x3] =	wrdreg s5  }
0x22: {  	[dreg:$0x4] =	wrdreg $0xC0  }
0x23: {  	_ =	task [dreg:s7], $0x5FFFF  }
0x24: {  	[dreg:$0x1] =	wrdreg $0xFFFFFFFF  }
0x25: {  	[dreg:$0x0] =	wrdreg $0x60  }
0x26: {  	[dreg:$0x2] =	wrdreg s25  }
0x27: {  	[dreg:$0x3] =	wrdreg s2  }
0x28: {  	[dreg:$0x4] =	wrdreg $0x9  }
0x29: {  	_ =	task.clear_ibuf [dreg:s7], $0x5FFFF;
	_ =	strace $0x90000049  }
0x2a: {  	s29 =	simm.s32 $0x9;
	_ =	strace $0x8000004B  }
0x2b: {  	_ =	swait.ge [sflag:s29], $0x1  }
0x2c: {  	[sflag:s29] =	ssyncadd.s32 $0xFFFFFFFF  }
0x2d: {  	_ =	strace $0x9000004B  }
0x2e: {  	_ =	sfence  }
0x2f: {  	s30 =	sld [smem:$0x0];
	_ =	sdelay $0x2  }
0x30: {  	s31 =	sshll.u32 s1, $0xD;
	s1 =	sshrl.u32 s1, $0x2  }
0x31: {  	s3 =	sand.u32 $0x4000, s31;
	s1 =	sadd.s32 s1, s30  }
0x32: {  	s0 =	sor.u32 s3, s0;
	s1 =	sshll.u32 s1, $0x11  }
0x33: {  	s0 =	sor.u32 s1, s0  }
0x34: {  	s0 =	sadd.s32 $0x8F2B, s0  }
0x35: {  	[sflag:s0] =	ssyncadd.remote.s32 $0x1  }
0x36: {  	_ =	sfence.sel $0xFFFF  }
0x37: {  	[dreg:$0x0] =	wrdreg $0xFFFFFFFF;
	(pc) =	sbr.abs _section_cstart, $3  }
0x38: {  	[dreg:$0x1] =	wrdreg $0xFFFFFFFF  }
0x39: {  	_ =	task.clear_ibuf [dreg:s7], $0x2FFFF;
	_ =	strace $0x9FFFFFFF  }
0x3a: {  	(tm) =	ssettm $0x7FFFFFFF  }
0x3b: {  	_ =	shalt  }
tec
execute0_lowered:
.L_overlay_start_1:
0x0: {  	(tag) =	ssettag $0x1  }
0x1: {  	s3 =	rddreg [dreg:$0x0]  }
0x2: {  	s1 =	rddreg [dreg:$0x1];
	s2 =	srdreg.scid  }
0x3: {  	s0 =	rddreg [dreg:$0x2];
	_ =	strace $0x8000004A;
	s5 =	simm.s32 $0x1  }
0x4: {  	s7 =	simm.s32 $0x2;
	s13 =	simm.s32 $0x0;
	p0 =	por $0x0, $0x0  }
0x5: {  	s14 =	simm.s32 $0x0;
	s15 =	simm.s32 $0x0;
	s9 =	simm.s32 $0x0  }
.Ltmp0:
0x6: {  	s11 =	stileid.u32;
	s2 =	sand.u32 $0x1, s2;
	(pc) =	sbr.rel .LBB1_1-.Ltmp0, $4  }
0x7: {  	s12 =	simm.s32 $0x0;
	s4 =	sadd.s32 $0x1000, s3;
	s6 =	ssub.s32 $0xE0, s2  }
0x8: {  	[sflag:s5] =	ssyncpa.u1 $0x0;
	s3 =	stileid.u32;
	s31 =	sshrl.u32 s6, $0x1  }
0x9: {  	[sflag:s7] =	ssyncpa.u1 $0x0;
	s10 =	smov.u32 s2;
	s8 =	ssub.s32 s6, s31  }
0xa: {  	s6 =	sshll.u32 s8, $0x1;
	s7 =	sshllo.u32 s8, $0x1;
	s8 =	simm.s32 $0x800  }
.LBB1_4:
0xb: {  	s15 =	smul.u32 $0x38000, s15;
	_ =	sdelay $0x1  }
0xc: {  	s18 =	sand.u32 $0x380, s13;
	s14 =	sshll.u32 s14, $0xA;
	s15 =	sadd.s32 s1, s15  }
0xd: {  	s19 =	sshrl.u32 s13, $0x3;
	s30 =	sand.u32 $0x7, s13;
	s14 =	sadd.s32 s14, s15  }
0xe: {  	s31 =	sand.u32 $0xF, s19;
	s13 =	sshll.u32 s30, $0x12;
	s14 =	sadd.s32 s18, s14  }
0xf: {  	[tilespmem:s17+$0x0 ss:$0x81] =	vst.msk $0xffff, v0;
	s13 =	sor.u32 $0x400, s13;
	s14 =	sadd.s32 s31, s14  }
0x10: {  	[hbm4b:s14+s13] =	stream.strided.scatter [tilespmem:s16], [sflag:$0x2], $0x1000, s8, s13, $0x20;
	[tilespmem:$0x4040] =	vst v63  }
.LBB1_5:
0x11: {  	s16 =	sadd.s32 $0x80, s9  }
0x12: {  	s13 =	sadd.s32 $0x2, s10;
	s17 =	smov.u32 s10;
	p2 =	sgt.s32 s16, $0xDF  }
0x13: {  	s17 =	smov.u32 @p2 s13  }
0x14: {  	s19 =	smov.u32 s11;
	s13 =	sadd.s32 $0x10, s11;
	p3 =	sgt.s32 s17, $0xDF  }
0x15: {  	s19 =	smov.u32 @p3 s13  }
0x16: {  	s16 =	simm.s32 @p2 $0x0;
	p2 =	sgt.s32 s19, $0xF  }
0x17: {  	p1 =	slt.u32 s12, $0x2;
	s19 =	smov.u32 @p2 s3;
	p2 =	sne.s32 s12, s7  }
.Ltmp1:
0x18: {  	s18 =	simm.s32 @!p1 $0x2;
	(pc) =	sbr.rel @!p2 .LBB1_6-.Ltmp1, $4  }
0x19: {  	s14 =	smov.u32 s10;
	s15 =	smov.u32 s11;
	_ =	swait.ge @!p1 [sflag:s18], $0x1000  }
0x1a: {  	p0 =	por !p0, !p0;
	[sflag:s18] =	ssyncset.done @!p1 $0x0;
	s17 =	smov.u32 @p3 s2  }
0x1b: {  	s13 =	smov.u32 s9;
	[sflag:s18] =	ssyncadd.s32 @!p1 $0xFFFFF000;
	s9 =	smov.u32 s16  }
0x1c: {  	s10 =	smov.u32 s17;
	s12 =	sadd.s32 $0x1, s12;
	s11 =	smov.u32 s19  }
.LBB1_1:
0x1d: {  	p1 =	sge.u32 s12, s6;
	s18 =	smov.u32 s11  }
0x1e: {  	s20 =	smov.u32 s10;
	s16 =	sand.u32 @!p1 $0x1FFFFFF, s9;
	p2 =	sgt.s32 @!p1 s11, $0xF  }
0x1f: {  	s19 =	sshra.s32 @!p1 s11, $0x1F;
	s21 =	sshra.s32 @!p1 s10, $0x1F;
	p2 =	por !p2, p1  }
0x20: {  	s17 =	smulhi.u32 @!p1 $0x2492493, s16;
	s18 =	simm.s32 @p2 $0xF;
	p2 =	sgt.s32 @!p1 s10, $0xDF  }
0x21: {  	s19 =	sand.u32 @!p1 s19, s11;
	s21 =	sand.u32 @!p1 s21, s10;
	p2 =	por !p2, p1  }
0x22: {  	s17 =	sshrl.u32 @!p1 s17, $0x1;
	s18 =	ssub.s32 @!p1 s18, s19;
	s20 =	simm.s32 @p2 $0xDF  }
0x23: {  	p2 =	sgt.s32 @!p1 s9, $0x60;
	s18 =	sadd.s32 @!p1 $0xFFFFFFF1, s18;
	s19 =	ssub.s32 @!p1 s20, s21  }
0x24: {  	p2 =	por !p2, p1;
	s21 =	smov.u32 s9;
	s20 =	sadd.s32 @!p1 $0xFFFFFF21, s19  }
0x25: {  	s21 =	simm.s32 @p2 $0x60;
	p3 =	sgt.s32 @!p1 s20, $0x0;
	s20 =	sshra.s32 @!p1 s9, $0x1F  }
0x26: {  	p2 =	sgt.s32 @!p1 s18, $0x0;
	s18 =	sshll.u32 @!p1 s18, $0x5;
	s20 =	sand.u32 @!p1 s20, s9  }
0x27: {  	s19 =	ssub.s32 @!p1 $0xE0, s19;
	s18 =	ssub.s32 @!p1 $0x20, s18;
	s20 =	ssub.s32 @!p1 s21, s20  }
0x28: {  	p2 =	por !p2, p1;
	p3 =	por !p3, p1;
	s21 =	sadd.s32 @!p1 $0xFFFFFFA0, s20  }
0x29: {  	s18 =	simm.s32 @!p2 $0x0;
	s19 =	simm.s32 @!p3 $0x0;
	p3 =	sgt.s32 @!p1 s21, $0x7F  }
0x2a: {  	s20 =	ssub.s32 @!p1 $0xE0, s20;
	s18 =	smul.u32 @!p1 s19, s18;
	p2 =	por !p3, p1  }
0x2b: {  	s17 =	smul.u32 @!p1 $0xE0, s17;
	s20 =	simm.s32 @!p2 $0x0  }
0x2c: {  	s18 =	smul.u32 @!p1 s20, s18  }
0x2d: {  	s31 =	sadd.s32 $0xFFFFFFFF, s12;
	s20 =	smul.u32 @!p1 $0xC4000, s11  }
0x2e: {  	s16 =	ssub.s32 @!p1 s16, s17;
	s19 =	sxor.u32 @!p1 $0xFFFFFFFF, s12;
	s21 =	smul.u32 @!p1 $0xE00, s10  }
0x2f: {  	s16 =	sshll.u32 @!p1 s16, $0x4;
	s19 =	sshll.u32 @!p1 s19, $0xC;
	s17 =	sadd.s32 @!p1 s4, s20  }
0x30: {  	s19 =	sand.u32 @!p1 $0x1000, s19;
	s18 =	sand.u32 @!p1 $0x3FFFFFE0, s18;
	s17 =	sadd.s32 @!p1 s21, s17  }
0x31: {  	s20 =	simm.s32 @!p1 $0x80;
	s16 =	sadd.s32 @!p1 s16, s17;
	s17 =	simm.s32 @!p1 $0x20  }
0x32: {  	[tilespmem:s19], [sflag:$0x1] =	stream.strided.gather @!p1 [hbm4b:s16+s17], s18, s20, s17, $0x38;
	[tilespmem:$0x4040] =	vst v63  }
0x33: {  	p1 =	sge.u32 s31, s6  }
.Ltmp2:
0x34: {  	_ = 	snop;
	(pc) =	sbr.rel @p1 .LBB1_5-.Ltmp2, $1  }
0x35: {  	_ =	sdelay $0x3  }
0x36: {  	p1 =	sgt.s32 s15, $0xF  }
0x37: {  	s16 =	smov.u32 s15;
	s17 =	sshra.s32 s15, $0x1F;
	s18 =	sshra.s32 s14, $0x1F  }
0x38: {  	p2 =	sgt.s32 s13, $0x60;
	s16 =	simm.s32 @!p1 $0xF;
	s17 =	sand.u32 s17, s15  }
0x39: {  	s20 =	sshra.s32 s13, $0x1F;
	p1 =	sgt.s32 s14, $0xDF;
	s16 =	ssub.s32 s16, s17  }
0x3a: {  	s18 =	sand.u32 s18, s14;
	s17 =	smov.u32 s14;
	s16 =	sadd.s32 $0xFFFFFFF1, s16  }
0x3b: {  	s26 =	sand.u32 s20, s13;
	s17 =	simm.s32 @!p1 $0xDF;
	p1 =	sgt.s32 s16, $0x0  }
0x3c: {  	s17 =	ssub.s32 s17, s18;
	s18 =	smov.u32 s13;
	s16 =	sshll.u32 s16, $0x5  }
0x3d: {  	s19 =	sadd.s32 $0xFFFFFF21, s17;
	s18 =	simm.s32 @!p2 $0x60;
	s17 =	ssub.s32 $0xE0, s17  }
0x3e: {  	s16 =	ssub.s32 $0x20, s16;
	p2 =	sgt.s32 s19, $0x0;
	s18 =	ssub.s32 s18, s26  }
0x3f: {  	s16 =	simm.s32 @p1 $0x0;
	s17 =	simm.s32 @p2 $0x0;
	s19 =	sadd.s32 $0xFFFFFFA0, s18  }
0x40: {  	s18 =	ssub.s32 $0xE0, s18;
	p1 =	sgt.s32 s19, $0x7F;
	s16 =	smul.u32 s17, s16  }
0x41: {  	s18 =	simm.s32 @p1 $0x0  }
0x42: {  	s16 =	smul.u32 s18, s16;
	_ =	sdelay $0x1  }
0x43: {  	s17 =	simm.s32 $0x1;
	s16 =	sand.u32 $0x3FFFFFE0, s16  }
0x44: {  	s17 =	simm.s32 @!p0 $0x0;
	_ =	swait.ge [sflag:s5], s16  }
0x45: {  	s27 =	sshll.u32 s17, $0xC;
	s16 =	ssub.s32 $0x0, s16;
	[sflag:s5] =	ssyncset.done $0x0  }
0x46: {  	s28 =	sor.u32 $0x10, s27;
	[sflag:s5] =	ssyncadd.s32 s16  }
0x47: {  	s29 =	smul.u32 $0x4080, s17;
	v1 =	vld [tilespmem:s28+$0x0]  }
0x48: {  	s30 =	sand.u32 $0x1, s12;
	v0 =	vld [tilespmem:s28+$0xFFFFFFF0]  }
0x49: {  	s17 =	smul.u32 $0x4080, s30;
	s16 =	sshrl.u32 s29, $0x2  }
0x4a: {  	s18 =	sor.u32 $0x2000, s16  }
0x4b: {  	s31 =	sshrl.u32 s17, $0x2;
	s17 =	sadd.s32 $0x0, s18  }
0x4c: {  	s19 =	simm.s32 $0x4;
	s20 =	sadd.s32 $0x20, s28;
	s16 =	sor.u32 $0x2000, s31;
	[tilespmem:s17+$0x810 ss:$0x81] =	vst.msk $0xffff, v1  }
.LBB1_3:
0x4d: {  	v1 =	vld [tilespmem:s20+$0x0];
	p1 =	sne.s32 s19, $0x1FC;
	[tilespmem:s17+$0x0 ss:$0x81] =	vst.msk $0xffff, v0;
	s17 =	smov.u32 s19;
	s19 =	sadd.s32 $0x4, s19  }
.Ltmp3:
0x4e: {  	v0 =	vld [tilespmem:s20+$0xFFFFFFF0];
	(pc) =	sbr.rel @p1 .LBB1_3-.Ltmp3, $4  }
0x4f: {  	_ = 	snop  }
0x50: {  	s17 =	sshra.s32 s17, $0x2  }
0x51: {  	s17 =	sadd.s32 s17, s18  }
0x52: {  	s20 =	sadd.s32 $0x20, s20;
	[tilespmem:s17+$0x810 ss:$0x81] =	vst.msk $0xffff, v1  }
.Ltmp4:
0x53: {  	_ = 	snop;
	(pc) =	sbr.rel .LBB1_4-.Ltmp4, $1  }
0x54: {  	_ =	sdelay $0x3  }
.LBB1_6:
0x55: {  	_ =	sfence.sel $0x180000  }
0x56: {  	s1 =	simm.s32 $0x1;
	[bflag:$0x0] =	sbarrier.arrive $0xFFFF  }
0x57: {  	s31 =	simm.s32 $0x2;
	[sflag:s1] =	ssyncpa.u1 $0x1  }
0x58: {  	[sflag:s31] =	ssyncpa.u1 $0x1  }
0x59: {  	p0 =	sne.s32 s3, $0x0;
	_ =	strace $0x9000004A  }
0x5a: {  	s0 =	sadd.s32 @!p0 $0x100000, s0;
	[bflag:$0x2] =	sbarrier.arrive $0xFFFF  }
0x5b: {  	[sflag:s0] =	ssyncadd.tile.s32 @!p0 $0x1;
	_ =	shalt  }
.Lfunc_end1:
_tile_overlayer_lowered:
.L_overlay_start_2:
0x5c: {  	(tag) =	ssettag $0x2  }
0x5d: {  	s0 =	rddreg [dreg:$0x0];
	s2 =	stileid.u32  }
0x5e: {  	s1 =	rddreg [dreg:$0x1];
	p0 =	sne.s32 s2, $0x0  }
0x5f: {  	s3 =	rddreg [dreg:$0x2];
	[bflag:$0x3] =	sbarrier.arrive $0xFFFF;
	s2 =	simm.s32 @!p0 $0x1C01  }
0x60: {  	[timem:s3], [sflag:s2] =	dma.local @!p0 [hbm:s0], s1  }
0x61: {  	s0 =	simm.s32 @!p0 $0x1  }
0x62: {  	_ =	swait.ge @!p0 [sflag:s0], s1  }
0x63: {  	s1 =	ssub.s32 @!p0 $0x0, s1;
	[sflag:s0] =	ssyncset.done @!p0 $0x0  }
0x64: {  	[sflag:s0] =	ssyncadd.s32 @!p0 s1  }
0x65: {  	[bflag:$0x3] =	sbarrier.arrive $0xFFFF  }
0x66: {  	_ =	shalt  }

</sc_bundles>
